<compile_context>
chip_gen: v7x
topology: tpu7x:2x2x1
jax: 0.10.2.dev20260603
libtpu: 0.0.44.dev20260713+nightly
codegen_flags: <defaults>
</compile_context>

<pallas_src>
import functools

import jax
import jax.numpy as jnp
from jax import lax
from jax.experimental import pallas as pl
from jax.experimental.pallas import tpu as pltpu
from jax.experimental.pallas import tpu_sc as plsc

_D_MODEL = 256
_BATCH = 16384

_info = plsc.get_sparse_core_info()
_NC, _NS = _info.num_cores, _info.num_subcores
_NW = _NC * _NS
_BPW = _BATCH // _NW
_CHUNK = 128
_NCHUNK = _BPW // _CHUNK
_NBUF = 3

_mesh = plsc.VectorSubcoreMesh(core_axis_name="c", subcore_axis_name="s")


@functools.partial(
    pl.kernel,
    mesh=_mesh,
    out_type=jax.ShapeDtypeStruct((_BATCH, _D_MODEL), jnp.float32),
    scratch_types=[
        pltpu.VMEM((_BPW,), jnp.int32),
        pltpu.VMEM((_NBUF, _CHUNK, _D_MODEL), jnp.float32),
        [pltpu.SemaphoreType.DMA] * _NBUF,
        [pltpu.SemaphoreType.DMA] * _NBUF,
    ],
)
def _gather_kernel(ts_hbm, emb_hbm, out_hbm, idx_v, rows_v, gsems, wsems):
    wid = lax.axis_index("s") * _NC + lax.axis_index("c")
    base = wid * _BPW
    pltpu.sync_copy(ts_hbm.at[pl.ds(base, _BPW)], idx_v)

    def _idx(j):
        return idx_v.at[pl.ds(j * _CHUNK, _CHUNK)]

    gathers = [
        pltpu.async_copy(emb_hbm.at[_idx(b)], rows_v.at[b], gsems[b])
        for b in range(_NBUF)
    ]
    wbs = [None] * _NBUF
    for j in range(_NCHUNK):
        b = j % _NBUF
        gathers[b].wait()
        wbs[b] = pltpu.async_copy(
            rows_v.at[b], out_hbm.at[pl.ds(base + j * _CHUNK, _CHUNK)], wsems[b]
        )
        nj = j + _NBUF
        if nj < _NCHUNK:
            wbs[b].wait()
            wbs[b] = None
            gathers[b] = pltpu.async_copy(
                emb_hbm.at[_idx(nj)], rows_v.at[b], gsems[b]
            )
    for b in range(_NBUF):
        if wbs[b] is not None:
            wbs[b].wait()


def kernel(timesteps, embeddings):
    return _gather_kernel(timesteps.astype(jnp.int32), embeddings)

# --- scband reference (transcript-rebuilt; emitter-appended) ---
"""Pipeline reference for scband-sinusoidal-timestep-embedding-62242666053820 (READ-ONLY COPY).

The authoritative reference and input builder live on the scoring server;
editing this copy changes nothing except your own understanding.
"""

import math
import jax, jax.numpy as jnp
import numpy as np

D_MODEL = 256
MAX_TIMESTEPS = 1000
BATCH = 16384


def _build_embeddings(max_timesteps: int, d_model: int) -> jnp.ndarray:
    half_dim = d_model // 2
    freqs = jnp.exp(-math.log(10000.0) * jnp.arange(half_dim, dtype=jnp.float32) / half_dim)
    timesteps = jnp.arange(max_timesteps, dtype=jnp.float32)
    args = timesteps[:, None] * freqs[None, :]
    embeddings = jnp.concatenate([jnp.sin(args), jnp.cos(args)], axis=-1)
    if d_model % 2 == 1:
        embeddings = jnp.concatenate([embeddings, jnp.zeros((max_timesteps, 1), dtype=jnp.float32)], axis=-1)
    return embeddings


def setup_inputs(seed: int = 0) -> dict:
    key = jax.random.key(seed)
    k1, _ = jax.random.split(key)
    timesteps = jax.random.randint(k1, (BATCH,), 0, MAX_TIMESTEPS, dtype=jnp.int64 if jax.config.jax_enable_x64 else jnp.int32)
    embeddings = _build_embeddings(MAX_TIMESTEPS, D_MODEL)
    return {"timesteps": timesteps, "embeddings": embeddings}


def reference(timesteps, embeddings):
    # Faithful translation of forward: row gather from precomputed sinusoidal table.
    return jnp.take(embeddings, timesteps, axis=0)

if __name__ == "__main__":
    import jax
    _d = setup_inputs()
    print(jax.jit(kernel)(*tuple(_d.values())))

</pallas_src>

<mosaic_0001>
#map = affine_map<(d0, d1) -> (0)>
#map1 = affine_map<(d0, d1) -> (0, 0)>
module attributes {stable_mosaic.version = 14 : i64} {
  func.func @_gather_kernel(%arg0: i32, %arg1: i32, %arg2: memref<16384xi32, #tpu.memory_space<hbm>>, %arg3: memref<1000x256xf32, #tpu.memory_space<hbm>>, %arg4: memref<16384x256xf32, #tpu.memory_space<hbm>>, %arg5: memref<512xi32, #tpu.memory_space<vmem>>, %arg6: memref<3x128x256xf32, #tpu.memory_space<vmem>>, %arg7: memref<!tpu.dma_semaphore, #tpu.memory_space<semaphore_mem>>, %arg8: memref<!tpu.dma_semaphore, #tpu.memory_space<semaphore_mem>>, %arg9: memref<!tpu.dma_semaphore, #tpu.memory_space<semaphore_mem>>, %arg10: memref<!tpu.dma_semaphore, #tpu.memory_space<semaphore_mem>>, %arg11: memref<!tpu.dma_semaphore, #tpu.memory_space<semaphore_mem>>, %arg12: memref<!tpu.dma_semaphore, #tpu.memory_space<semaphore_mem>>) attributes {dimension_semantics = [#tpu.dimension_semantics<core_parallel>, #tpu.dimension_semantics<subcore_parallel>], iteration_bounds = array<i64: 2, 16>, scalar_prefetch = 0 : i64, scratch_operands = 8 : i64, tpu.core_type = #tpu.core_type<sc_vector_subcore>, window_params = [{transform_indices = #map}, {transform_indices = #map1}, {transform_indices = #map1}]} {
    %mul3A = arith.constant 2 : i32
    %mul3A_0 = arith.muli %arg1, %mul3A : i32
    %add3A = arith.addi %mul3A_0, %arg0 : i32
    %mul3A_1 = arith.constant 512 : i32
    %mul3A_2 = arith.muli %add3A, %mul3A_1 : i32
    "tpu.region"() ({
      %run_scoped3A = tpu.sem_alloc : memref<!tpu.dma_semaphore, #tpu.memory_space<semaphore_mem>>
      %dma_start3A_193 = tpu.memref_slice %arg2[%mul3A_2] : memref<16384xi32, #tpu.memory_space<hbm>> -> memref<512xi32, #tpu.memory_space<hbm>>
      %dma_start3A_194 = tpu.memref_slice %arg2[%mul3A_2] : memref<16384xi32, #tpu.memory_space<hbm>> -> memref<512xi32, #tpu.memory_space<hbm>>
      tpu.enqueue_dma source(%dma_start3A_194 : memref<512xi32, #tpu.memory_space<hbm>>) target(%arg5 : memref<512xi32, #tpu.memory_space<vmem>>) target_semaphore(%run_scoped3A : memref<!tpu.dma_semaphore, #tpu.memory_space<semaphore_mem>>)
      %dma_wait3A_195 = tpu.memref_slice %arg2[%mul3A_2] : memref<16384xi32, #tpu.memory_space<hbm>> -> memref<512xi32, #tpu.memory_space<hbm>>
      %dma_wait3A_196 = tpu.memref_slice %arg2[%mul3A_2] : memref<16384xi32, #tpu.memory_space<hbm>> -> memref<512xi32, #tpu.memory_space<hbm>>
      tpu.wait_dma2 semaphore(%run_scoped3A : memref<!tpu.dma_semaphore, #tpu.memory_space<semaphore_mem>>) src(%dma_wait3A_196 : memref<512xi32, #tpu.memory_space<hbm>>) dst(%arg5 : memref<512xi32, #tpu.memory_space<vmem>>)
      tpu.yield
    }) : () -> ()
    %dma_start3A = arith.constant 0 : i32
    %dma_start3A_3 = arith.constant 0 : i32
    %dma_start3A_4 = arith.constant 0 : i32
    %dma_start3A_5 = tpu.memref_slice %arg6[%dma_start3A, %dma_start3A_3, %dma_start3A_4] : memref<3x128x256xf32, #tpu.memory_space<vmem>> -> memref<1x128x256xf32, #tpu.memory_space<vmem>>
    %dma_start3A_6 = tpu.memref_squeeze %dma_start3A_5 : memref<1x128x256xf32, #tpu.memory_space<vmem>> -> memref<128x256xf32, #tpu.memory_space<vmem>>
    %dma_start3A_7 = arith.constant 0 : i32
    %dma_start3A_8 = tpu.memref_slice %arg5[%dma_start3A_7] : memref<512xi32, #tpu.memory_space<vmem>> -> memref<128xi32, #tpu.memory_space<vmem>>
    %dma_start3A_9 = arith.constant 0 : i32
    %dma_start3A_10 = arith.constant 0 : i32
    %dma_start3A_11 = tpu.memref_slice %arg3[%dma_start3A_9, %dma_start3A_10] : memref<1000x256xf32, #tpu.memory_space<hbm>> -> memref<1000x256xf32, #tpu.memory_space<hbm>>
    tpu.enqueue_indirect_dma source(%dma_start3A_11 : memref<1000x256xf32, #tpu.memory_space<hbm>>) target(%dma_start3A_6 : memref<128x256xf32, #tpu.memory_space<vmem>>) offsets(%dma_start3A_8 : memref<128xi32, #tpu.memory_space<vmem>>) semaphore(%arg7 : memref<!tpu.dma_semaphore, #tpu.memory_space<semaphore_mem>>)
    %dma_start3A_12 = arith.constant 1 : i32
    %dma_start3A_13 = arith.constant 0 : i32
    %dma_start3A_14 = arith.constant 0 : i32
    %dma_start3A_15 = tpu.memref_slice %arg6[%dma_start3A_12, %dma_start3A_13, %dma_start3A_14] : memref<3x128x256xf32, #tpu.memory_space<vmem>> -> memref<1x128x256xf32, #tpu.memory_space<vmem>>
    %dma_start3A_16 = tpu.memref_squeeze %dma_start3A_15 : memref<1x128x256xf32, #tpu.memory_space<vmem>> -> memref<128x256xf32, #tpu.memory_space<vmem>>
    %dma_start3A_17 = arith.constant 128 : i32
    %dma_start3A_18 = tpu.memref_slice %arg5[%dma_start3A_17] : memref<512xi32, #tpu.memory_space<vmem>> -> memref<128xi32, #tpu.memory_space<vmem>>
    %dma_start3A_19 = arith.constant 0 : i32
    %dma_start3A_20 = arith.constant 0 : i32
    %dma_start3A_21 = tpu.memref_slice %arg3[%dma_start3A_19, %dma_start3A_20] : memref<1000x256xf32, #tpu.memory_space<hbm>> -> memref<1000x256xf32, #tpu.memory_space<hbm>>
    tpu.enqueue_indirect_dma source(%dma_start3A_21 : memref<1000x256xf32, #tpu.memory_space<hbm>>) target(%dma_start3A_16 : memref<128x256xf32, #tpu.memory_space<vmem>>) offsets(%dma_start3A_18 : memref<128xi32, #tpu.memory_space<vmem>>) semaphore(%arg8 : memref<!tpu.dma_semaphore, #tpu.memory_space<semaphore_mem>>)
    %dma_start3A_22 = arith.constant 2 : i32
    %dma_start3A_23 = arith.constant 0 : i32
    %dma_start3A_24 = arith.constant 0 : i32
    %dma_start3A_25 = tpu.memref_slice %arg6[%dma_start3A_22, %dma_start3A_23, %dma_start3A_24] : memref<3x128x256xf32, #tpu.memory_space<vmem>> -> memref<1x128x256xf32, #tpu.memory_space<vmem>>
    %dma_start3A_26 = tpu.memref_squeeze %dma_start3A_25 : memref<1x128x256xf32, #tpu.memory_space<vmem>> -> memref<128x256xf32, #tpu.memory_space<vmem>>
    %dma_start3A_27 = arith.constant 256 : i32
    %dma_start3A_28 = tpu.memref_slice %arg5[%dma_start3A_27] : memref<512xi32, #tpu.memory_space<vmem>> -> memref<128xi32, #tpu.memory_space<vmem>>
    %dma_start3A_29 = arith.constant 0 : i32
    %dma_start3A_30 = arith.constant 0 : i32
    %dma_start3A_31 = tpu.memref_slice %arg3[%dma_start3A_29, %dma_start3A_30] : memref<1000x256xf32, #tpu.memory_space<hbm>> -> memref<1000x256xf32, #tpu.memory_space<hbm>>
    tpu.enqueue_indirect_dma source(%dma_start3A_31 : memref<1000x256xf32, #tpu.memory_space<hbm>>) target(%dma_start3A_26 : memref<128x256xf32, #tpu.memory_space<vmem>>) offsets(%dma_start3A_28 : memref<128xi32, #tpu.memory_space<vmem>>) semaphore(%arg9 : memref<!tpu.dma_semaphore, #tpu.memory_space<semaphore_mem>>)
    %dma_wait3A = arith.constant 0 : i32
    %dma_wait3A_32 = arith.constant 0 : i32
    %dma_wait3A_33 = arith.constant 0 : i32
    %dma_wait3A_34 = tpu.memref_slice %arg6[%dma_wait3A, %dma_wait3A_32, %dma_wait3A_33] : memref<3x128x256xf32, #tpu.memory_space<vmem>> -> memref<1x128x256xf32, #tpu.memory_space<vmem>>
    %dma_wait3A_35 = tpu.memref_squeeze %dma_wait3A_34 : memref<1x128x256xf32, #tpu.memory_space<vmem>> -> memref<128x256xf32, #tpu.memory_space<vmem>>
    %dma_wait3A_36 = arith.constant 0 : i32
    %dma_wait3A_37 = tpu.memref_slice %arg5[%dma_wait3A_36] : memref<512xi32, #tpu.memory_space<vmem>> -> memref<128xi32, #tpu.memory_space<vmem>>
    %dma_wait3A_38 = arith.constant 0 : i32
    %dma_wait3A_39 = arith.constant 0 : i32
    %dma_wait3A_40 = tpu.memref_slice %arg3[%dma_wait3A_38, %dma_wait3A_39] : memref<1000x256xf32, #tpu.memory_space<hbm>> -> memref<1000x256xf32, #tpu.memory_space<hbm>>
    tpu.wait_indirect_dma semaphore(%arg7 : memref<!tpu.dma_semaphore, #tpu.memory_space<semaphore_mem>>) src(%dma_wait3A_40 : memref<1000x256xf32, #tpu.memory_space<hbm>>) dst(%dma_wait3A_35 : memref<128x256xf32, #tpu.memory_space<vmem>>)
    %add3A_41 = arith.constant 0 : i32
    %add3A_42 = arith.addi %mul3A_2, %add3A_41 : i32
    %dma_start3A_43 = arith.constant 0 : i32
    %dma_start3A_44 = arith.constant 0 : i32
    %dma_start3A_45 = arith.constant 0 : i32
    %dma_start3A_46 = tpu.memref_slice %arg6[%dma_start3A_43, %dma_start3A_44, %dma_start3A_45] : memref<3x128x256xf32, #tpu.memory_space<vmem>> -> memref<1x128x256xf32, #tpu.memory_space<vmem>>
    %dma_start3A_47 = tpu.memref_squeeze %dma_start3A_46 : memref<1x128x256xf32, #tpu.memory_space<vmem>> -> memref<128x256xf32, #tpu.memory_space<vmem>>
    %dma_start3A_48 = arith.constant 0 : i32
    %dma_start3A_49 = tpu.memref_slice %arg4[%add3A_42, %dma_start3A_48] : memref<16384x256xf32, #tpu.memory_space<hbm>> -> memref<128x256xf32, #tpu.memory_space<hbm>>
    %dma_start3A_50 = arith.constant 0 : i32
    %dma_start3A_51 = tpu.memref_slice %arg4[%add3A_42, %dma_start3A_50] : memref<16384x256xf32, #tpu.memory_space<hbm>> -> memref<128x256xf32, #tpu.memory_space<hbm>>
    %dma_start3A_52 = arith.constant 0 : i32
    %dma_start3A_53 = arith.constant 0 : i32
    %dma_start3A_54 = tpu.memref_slice %arg6[%dma_start3A_43, %dma_start3A_52, %dma_start3A_53] : memref<3x128x256xf32, #tpu.memory_space<vmem>> -> memref<1x128x256xf32, #tpu.memory_space<vmem>>
    %dma_start3A_55 = tpu.memref_squeeze %dma_start3A_54 : memref<1x128x256xf32, #tpu.memory_space<vmem>> -> memref<128x256xf32, #tpu.memory_space<vmem>>
    tpu.enqueue_dma source(%dma_start3A_55 : memref<128x256xf32, #tpu.memory_space<vmem>>) target(%dma_start3A_51 : memref<128x256xf32, #tpu.memory_space<hbm>>) target_semaphore(%arg10 : memref<!tpu.dma_semaphore, #tpu.memory_space<semaphore_mem>>)
    %dma_wait3A_56 = arith.constant 0 : i32
    %dma_wait3A_57 = arith.constant 0 : i32
    %dma_wait3A_58 = arith.constant 0 : i32
    %dma_wait3A_59 = tpu.memref_slice %arg6[%dma_wait3A_56, %dma_wait3A_57, %dma_wait3A_58] : memref<3x128x256xf32, #tpu.memory_space<vmem>> -> memref<1x128x256xf32, #tpu.memory_space<vmem>>
    %dma_wait3A_60 = tpu.memref_squeeze %dma_wait3A_59 : memref<1x128x256xf32, #tpu.memory_space<vmem>> -> memref<128x256xf32, #tpu.memory_space<vmem>>
    %dma_wait3A_61 = arith.constant 0 : i32
    %dma_wait3A_62 = tpu.memref_slice %arg4[%add3A_42, %dma_wait3A_61] : memref<16384x256xf32, #tpu.memory_space<hbm>> -> memref<128x256xf32, #tpu.memory_space<hbm>>
    %dma_wait3A_63 = arith.constant 0 : i32
    %dma_wait3A_64 = tpu.memref_slice %arg4[%add3A_42, %dma_wait3A_63] : memref<16384x256xf32, #tpu.memory_space<hbm>> -> memref<128x256xf32, #tpu.memory_space<hbm>>
    %dma_wait3A_65 = arith.constant 0 : i32
    %dma_wait3A_66 = arith.constant 0 : i32
    %dma_wait3A_67 = tpu.memref_slice %arg6[%dma_wait3A_56, %dma_wait3A_65, %dma_wait3A_66] : memref<3x128x256xf32, #tpu.memory_space<vmem>> -> memref<1x128x256xf32, #tpu.memory_space<vmem>>
    %dma_wait3A_68 = tpu.memref_squeeze %dma_wait3A_67 : memref<1x128x256xf32, #tpu.memory_space<vmem>> -> memref<128x256xf32, #tpu.memory_space<vmem>>
    tpu.wait_dma2 semaphore(%arg10 : memref<!tpu.dma_semaphore, #tpu.memory_space<semaphore_mem>>) src(%dma_wait3A_68 : memref<128x256xf32, #tpu.memory_space<vmem>>) dst(%dma_wait3A_64 : memref<128x256xf32, #tpu.memory_space<hbm>>)
    %dma_start3A_69 = arith.constant 0 : i32
    %dma_start3A_70 = arith.constant 0 : i32
    %dma_start3A_71 = arith.constant 0 : i32
    %dma_start3A_72 = tpu.memref_slice %arg6[%dma_start3A_69, %dma_start3A_70, %dma_start3A_71] : memref<3x128x256xf32, #tpu.memory_space<vmem>> -> memref<1x128x256xf32, #tpu.memory_space<vmem>>
    %dma_start3A_73 = tpu.memref_squeeze %dma_start3A_72 : memref<1x128x256xf32, #tpu.memory_space<vmem>> -> memref<128x256xf32, #tpu.memory_space<vmem>>
    %dma_start3A_74 = arith.constant 384 : i32
    %dma_start3A_75 = tpu.memref_slice %arg5[%dma_start3A_74] : memref<512xi32, #tpu.memory_space<vmem>> -> memref<128xi32, #tpu.memory_space<vmem>>
    %dma_start3A_76 = arith.constant 0 : i32
    %dma_start3A_77 = arith.constant 0 : i32
    %dma_start3A_78 = tpu.memref_slice %arg3[%dma_start3A_76, %dma_start3A_77] : memref<1000x256xf32, #tpu.memory_space<hbm>> -> memref<1000x256xf32, #tpu.memory_space<hbm>>
    tpu.enqueue_indirect_dma source(%dma_start3A_78 : memref<1000x256xf32, #tpu.memory_space<hbm>>) target(%dma_start3A_73 : memref<128x256xf32, #tpu.memory_space<vmem>>) offsets(%dma_start3A_75 : memref<128xi32, #tpu.memory_space<vmem>>) semaphore(%arg7 : memref<!tpu.dma_semaphore, #tpu.memory_space<semaphore_mem>>)
    %dma_wait3A_79 = arith.constant 1 : i32
    %dma_wait3A_80 = arith.constant 0 : i32
    %dma_wait3A_81 = arith.constant 0 : i32
    %dma_wait3A_82 = tpu.memref_slice %arg6[%dma_wait3A_79, %dma_wait3A_80, %dma_wait3A_81] : memref<3x128x256xf32, #tpu.memory_space<vmem>> -> memref<1x128x256xf32, #tpu.memory_space<vmem>>
    %dma_wait3A_83 = tpu.memref_squeeze %dma_wait3A_82 : memref<1x128x256xf32, #tpu.memory_space<vmem>> -> memref<128x256xf32, #tpu.memory_space<vmem>>
    %dma_wait3A_84 = arith.constant 128 : i32
    %dma_wait3A_85 = tpu.memref_slice %arg5[%dma_wait3A_84] : memref<512xi32, #tpu.memory_space<vmem>> -> memref<128xi32, #tpu.memory_space<vmem>>
    %dma_wait3A_86 = arith.constant 0 : i32
    %dma_wait3A_87 = arith.constant 0 : i32
    %dma_wait3A_88 = tpu.memref_slice %arg3[%dma_wait3A_86, %dma_wait3A_87] : memref<1000x256xf32, #tpu.memory_space<hbm>> -> memref<1000x256xf32, #tpu.memory_space<hbm>>
    tpu.wait_indirect_dma semaphore(%arg8 : memref<!tpu.dma_semaphore, #tpu.memory_space<semaphore_mem>>) src(%dma_wait3A_88 : memref<1000x256xf32, #tpu.memory_space<hbm>>) dst(%dma_wait3A_83 : memref<128x256xf32, #tpu.memory_space<vmem>>)
    %add3A_89 = arith.constant 128 : i32
    %add3A_90 = arith.addi %mul3A_2, %add3A_89 : i32
    %dma_start3A_91 = arith.constant 1 : i32
    %dma_start3A_92 = arith.constant 0 : i32
    %dma_start3A_93 = arith.constant 0 : i32
    %dma_start3A_94 = tpu.memref_slice %arg6[%dma_start3A_91, %dma_start3A_92, %dma_start3A_93] : memref<3x128x256xf32, #tpu.memory_space<vmem>> -> memref<1x128x256xf32, #tpu.memory_space<vmem>>
    %dma_start3A_95 = tpu.memref_squeeze %dma_start3A_94 : memref<1x128x256xf32, #tpu.memory_space<vmem>> -> memref<128x256xf32, #tpu.memory_space<vmem>>
    %dma_start3A_96 = arith.constant 0 : i32
    %dma_start3A_97 = tpu.memref_slice %arg4[%add3A_90, %dma_start3A_96] : memref<16384x256xf32, #tpu.memory_space<hbm>> -> memref<128x256xf32, #tpu.memory_space<hbm>>
    %dma_start3A_98 = arith.constant 0 : i32
    %dma_start3A_99 = tpu.memref_slice %arg4[%add3A_90, %dma_start3A_98] : memref<16384x256xf32, #tpu.memory_space<hbm>> -> memref<128x256xf32, #tpu.memory_space<hbm>>
    %dma_start3A_100 = arith.constant 0 : i32
    %dma_start3A_101 = arith.constant 0 : i32
    %dma_start3A_102 = tpu.memref_slice %arg6[%dma_start3A_91, %dma_start3A_100, %dma_start3A_101] : memref<3x128x256xf32, #tpu.memory_space<vmem>> -> memref<1x128x256xf32, #tpu.memory_space<vmem>>
    %dma_start3A_103 = tpu.memref_squeeze %dma_start3A_102 : memref<1x128x256xf32, #tpu.memory_space<vmem>> -> memref<128x256xf32, #tpu.memory_space<vmem>>
    tpu.enqueue_dma source(%dma_start3A_103 : memref<128x256xf32, #tpu.memory_space<vmem>>) target(%dma_start3A_99 : memref<128x256xf32, #tpu.memory_space<hbm>>) target_semaphore(%arg11 : memref<!tpu.dma_semaphore, #tpu.memory_space<semaphore_mem>>)
    %dma_wait3A_104 = arith.constant 2 : i32
    %dma_wait3A_105 = arith.constant 0 : i32
    %dma_wait3A_106 = arith.constant 0 : i32
    %dma_wait3A_107 = tpu.memref_slice %arg6[%dma_wait3A_104, %dma_wait3A_105, %dma_wait3A_106] : memref<3x128x256xf32, #tpu.memory_space<vmem>> -> memref<1x128x256xf32, #tpu.memory_space<vmem>>
    %dma_wait3A_108 = tpu.memref_squeeze %dma_wait3A_107 : memref<1x128x256xf32, #tpu.memory_space<vmem>> -> memref<128x256xf32, #tpu.memory_space<vmem>>
    %dma_wait3A_109 = arith.constant 256 : i32
    %dma_wait3A_110 = tpu.memref_slice %arg5[%dma_wait3A_109] : memref<512xi32, #tpu.memory_space<vmem>> -> memref<128xi32, #tpu.memory_space<vmem>>
    %dma_wait3A_111 = arith.constant 0 : i32
    %dma_wait3A_112 = arith.constant 0 : i32
    %dma_wait3A_113 = tpu.memref_slice %arg3[%dma_wait3A_111, %dma_wait3A_112] : memref<1000x256xf32, #tpu.memory_space<hbm>> -> memref<1000x256xf32, #tpu.memory_space<hbm>>
    tpu.wait_indirect_dma semaphore(%arg9 : memref<!tpu.dma_semaphore, #tpu.memory_space<semaphore_mem>>) src(%dma_wait3A_113 : memref<1000x256xf32, #tpu.memory_space<hbm>>) dst(%dma_wait3A_108 : memref<128x256xf32, #tpu.memory_space<vmem>>)
    %add3A_114 = arith.constant 256 : i32
    %add3A_115 = arith.addi %mul3A_2, %add3A_114 : i32
    %dma_start3A_116 = arith.constant 2 : i32
    %dma_start3A_117 = arith.constant 0 : i32
    %dma_start3A_118 = arith.constant 0 : i32
    %dma_start3A_119 = tpu.memref_slice %arg6[%dma_start3A_116, %dma_start3A_117, %dma_start3A_118] : memref<3x128x256xf32, #tpu.memory_space<vmem>> -> memref<1x128x256xf32, #tpu.memory_space<vmem>>
    %dma_start3A_120 = tpu.memref_squeeze %dma_start3A_119 : memref<1x128x256xf32, #tpu.memory_space<vmem>> -> memref<128x256xf32, #tpu.memory_space<vmem>>
    %dma_start3A_121 = arith.constant 0 : i32
    %dma_start3A_122 = tpu.memref_slice %arg4[%add3A_115, %dma_start3A_121] : memref<16384x256xf32, #tpu.memory_space<hbm>> -> memref<128x256xf32, #tpu.memory_space<hbm>>
    %dma_start3A_123 = arith.constant 0 : i32
    %dma_start3A_124 = tpu.memref_slice %arg4[%add3A_115, %dma_start3A_123] : memref<16384x256xf32, #tpu.memory_space<hbm>> -> memref<128x256xf32, #tpu.memory_space<hbm>>
    %dma_start3A_125 = arith.constant 0 : i32
    %dma_start3A_126 = arith.constant 0 : i32
    %dma_start3A_127 = tpu.memref_slice %arg6[%dma_start3A_116, %dma_start3A_125, %dma_start3A_126] : memref<3x128x256xf32, #tpu.memory_space<vmem>> -> memref<1x128x256xf32, #tpu.memory_space<vmem>>
    %dma_start3A_128 = tpu.memref_squeeze %dma_start3A_127 : memref<1x128x256xf32, #tpu.memory_space<vmem>> -> memref<128x256xf32, #tpu.memory_space<vmem>>
    tpu.enqueue_dma source(%dma_start3A_128 : memref<128x256xf32, #tpu.memory_space<vmem>>) target(%dma_start3A_124 : memref<128x256xf32, #tpu.memory_space<hbm>>) target_semaphore(%arg12 : memref<!tpu.dma_semaphore, #tpu.memory_space<semaphore_mem>>)
    %dma_wait3A_129 = arith.constant 0 : i32
    %dma_wait3A_130 = arith.constant 0 : i32
    %dma_wait3A_131 = arith.constant 0 : i32
    %dma_wait3A_132 = tpu.memref_slice %arg6[%dma_wait3A_129, %dma_wait3A_130, %dma_wait3A_131] : memref<3x128x256xf32, #tpu.memory_space<vmem>> -> memref<1x128x256xf32, #tpu.memory_space<vmem>>
    %dma_wait3A_133 = tpu.memref_squeeze %dma_wait3A_132 : memref<1x128x256xf32, #tpu.memory_space<vmem>> -> memref<128x256xf32, #tpu.memory_space<vmem>>
    %dma_wait3A_134 = arith.constant 384 : i32
    %dma_wait3A_135 = tpu.memref_slice %arg5[%dma_wait3A_134] : memref<512xi32, #tpu.memory_space<vmem>> -> memref<128xi32, #tpu.memory_space<vmem>>
    %dma_wait3A_136 = arith.constant 0 : i32
    %dma_wait3A_137 = arith.constant 0 : i32
    %dma_wait3A_138 = tpu.memref_slice %arg3[%dma_wait3A_136, %dma_wait3A_137] : memref<1000x256xf32, #tpu.memory_space<hbm>> -> memref<1000x256xf32, #tpu.memory_space<hbm>>
    tpu.wait_indirect_dma semaphore(%arg7 : memref<!tpu.dma_semaphore, #tpu.memory_space<semaphore_mem>>) src(%dma_wait3A_138 : memref<1000x256xf32, #tpu.memory_space<hbm>>) dst(%dma_wait3A_133 : memref<128x256xf32, #tpu.memory_space<vmem>>)
    %add3A_139 = arith.constant 384 : i32
    %add3A_140 = arith.addi %mul3A_2, %add3A_139 : i32
    %dma_start3A_141 = arith.constant 0 : i32
    %dma_start3A_142 = arith.constant 0 : i32
    %dma_start3A_143 = arith.constant 0 : i32
    %dma_start3A_144 = tpu.memref_slice %arg6[%dma_start3A_141, %dma_start3A_142, %dma_start3A_143] : memref<3x128x256xf32, #tpu.memory_space<vmem>> -> memref<1x128x256xf32, #tpu.memory_space<vmem>>
    %dma_start3A_145 = tpu.memref_squeeze %dma_start3A_144 : memref<1x128x256xf32, #tpu.memory_space<vmem>> -> memref<128x256xf32, #tpu.memory_space<vmem>>
    %dma_start3A_146 = arith.constant 0 : i32
    %dma_start3A_147 = tpu.memref_slice %arg4[%add3A_140, %dma_start3A_146] : memref<16384x256xf32, #tpu.memory_space<hbm>> -> memref<128x256xf32, #tpu.memory_space<hbm>>
    %dma_start3A_148 = arith.constant 0 : i32
    %dma_start3A_149 = tpu.memref_slice %arg4[%add3A_140, %dma_start3A_148] : memref<16384x256xf32, #tpu.memory_space<hbm>> -> memref<128x256xf32, #tpu.memory_space<hbm>>
    %dma_start3A_150 = arith.constant 0 : i32
    %dma_start3A_151 = arith.constant 0 : i32
    %dma_start3A_152 = tpu.memref_slice %arg6[%dma_start3A_141, %dma_start3A_150, %dma_start3A_151] : memref<3x128x256xf32, #tpu.memory_space<vmem>> -> memref<1x128x256xf32, #tpu.memory_space<vmem>>
    %dma_start3A_153 = tpu.memref_squeeze %dma_start3A_152 : memref<1x128x256xf32, #tpu.memory_space<vmem>> -> memref<128x256xf32, #tpu.memory_space<vmem>>
    tpu.enqueue_dma source(%dma_start3A_153 : memref<128x256xf32, #tpu.memory_space<vmem>>) target(%dma_start3A_149 : memref<128x256xf32, #tpu.memory_space<hbm>>) target_semaphore(%arg10 : memref<!tpu.dma_semaphore, #tpu.memory_space<semaphore_mem>>)
    %dma_wait3A_154 = arith.constant 0 : i32
    %dma_wait3A_155 = arith.constant 0 : i32
    %dma_wait3A_156 = arith.constant 0 : i32
    %dma_wait3A_157 = tpu.memref_slice %arg6[%dma_wait3A_154, %dma_wait3A_155, %dma_wait3A_156] : memref<3x128x256xf32, #tpu.memory_space<vmem>> -> memref<1x128x256xf32, #tpu.memory_space<vmem>>
    %dma_wait3A_158 = tpu.memref_squeeze %dma_wait3A_157 : memref<1x128x256xf32, #tpu.memory_space<vmem>> -> memref<128x256xf32, #tpu.memory_space<vmem>>
    %dma_wait3A_159 = arith.constant 0 : i32
    %dma_wait3A_160 = tpu.memref_slice %arg4[%add3A_140, %dma_wait3A_159] : memref<16384x256xf32, #tpu.memory_space<hbm>> -> memref<128x256xf32, #tpu.memory_space<hbm>>
    %dma_wait3A_161 = arith.constant 0 : i32
    %dma_wait3A_162 = tpu.memref_slice %arg4[%add3A_140, %dma_wait3A_161] : memref<16384x256xf32, #tpu.memory_space<hbm>> -> memref<128x256xf32, #tpu.memory_space<hbm>>
    %dma_wait3A_163 = arith.constant 0 : i32
    %dma_wait3A_164 = arith.constant 0 : i32
    %dma_wait3A_165 = tpu.memref_slice %arg6[%dma_wait3A_154, %dma_wait3A_163, %dma_wait3A_164] : memref<3x128x256xf32, #tpu.memory_space<vmem>> -> memref<1x128x256xf32, #tpu.memory_space<vmem>>
    %dma_wait3A_166 = tpu.memref_squeeze %dma_wait3A_165 : memref<1x128x256xf32, #tpu.memory_space<vmem>> -> memref<128x256xf32, #tpu.memory_space<vmem>>
    tpu.wait_dma2 semaphore(%arg10 : memref<!tpu.dma_semaphore, #tpu.memory_space<semaphore_mem>>) src(%dma_wait3A_166 : memref<128x256xf32, #tpu.memory_space<vmem>>) dst(%dma_wait3A_162 : memref<128x256xf32, #tpu.memory_space<hbm>>)
    %dma_wait3A_167 = arith.constant 1 : i32
    %dma_wait3A_168 = arith.constant 0 : i32
    %dma_wait3A_169 = arith.constant 0 : i32
    %dma_wait3A_170 = tpu.memref_slice %arg6[%dma_wait3A_167, %dma_wait3A_168, %dma_wait3A_169] : memref<3x128x256xf32, #tpu.memory_space<vmem>> -> memref<1x128x256xf32, #tpu.memory_space<vmem>>
    %dma_wait3A_171 = tpu.memref_squeeze %dma_wait3A_170 : memref<1x128x256xf32, #tpu.memory_space<vmem>> -> memref<128x256xf32, #tpu.memory_space<vmem>>
    %dma_wait3A_172 = arith.constant 0 : i32
    %dma_wait3A_173 = tpu.memref_slice %arg4[%add3A_90, %dma_wait3A_172] : memref<16384x256xf32, #tpu.memory_space<hbm>> -> memref<128x256xf32, #tpu.memory_space<hbm>>
    %dma_wait3A_174 = arith.constant 0 : i32
    %dma_wait3A_175 = tpu.memref_slice %arg4[%add3A_90, %dma_wait3A_174] : memref<16384x256xf32, #tpu.memory_space<hbm>> -> memref<128x256xf32, #tpu.memory_space<hbm>>
    %dma_wait3A_176 = arith.constant 0 : i32
    %dma_wait3A_177 = arith.constant 0 : i32
    %dma_wait3A_178 = tpu.memref_slice %arg6[%dma_wait3A_167, %dma_wait3A_176, %dma_wait3A_177] : memref<3x128x256xf32, #tpu.memory_space<vmem>> -> memref<1x128x256xf32, #tpu.memory_space<vmem>>
    %dma_wait3A_179 = tpu.memref_squeeze %dma_wait3A_178 : memref<1x128x256xf32, #tpu.memory_space<vmem>> -> memref<128x256xf32, #tpu.memory_space<vmem>>
    tpu.wait_dma2 semaphore(%arg11 : memref<!tpu.dma_semaphore, #tpu.memory_space<semaphore_mem>>) src(%dma_wait3A_179 : memref<128x256xf32, #tpu.memory_space<vmem>>) dst(%dma_wait3A_175 : memref<128x256xf32, #tpu.memory_space<hbm>>)
    %dma_wait3A_180 = arith.constant 2 : i32
    %dma_wait3A_181 = arith.constant 0 : i32
    %dma_wait3A_182 = arith.constant 0 : i32
    %dma_wait3A_183 = tpu.memref_slice %arg6[%dma_wait3A_180, %dma_wait3A_181, %dma_wait3A_182] : memref<3x128x256xf32, #tpu.memory_space<vmem>> -> memref<1x128x256xf32, #tpu.memory_space<vmem>>
    %dma_wait3A_184 = tpu.memref_squeeze %dma_wait3A_183 : memref<1x128x256xf32, #tpu.memory_space<vmem>> -> memref<128x256xf32, #tpu.memory_space<vmem>>
    %dma_wait3A_185 = arith.constant 0 : i32
    %dma_wait3A_186 = tpu.memref_slice %arg4[%add3A_115, %dma_wait3A_185] : memref<16384x256xf32, #tpu.memory_space<hbm>> -> memref<128x256xf32, #tpu.memory_space<hbm>>
    %dma_wait3A_187 = arith.constant 0 : i32
    %dma_wait3A_188 = tpu.memref_slice %arg4[%add3A_115, %dma_wait3A_187] : memref<16384x256xf32, #tpu.memory_space<hbm>> -> memref<128x256xf32, #tpu.memory_space<hbm>>
    %dma_wait3A_189 = arith.constant 0 : i32
    %dma_wait3A_190 = arith.constant 0 : i32
    %dma_wait3A_191 = tpu.memref_slice %arg6[%dma_wait3A_180, %dma_wait3A_189, %dma_wait3A_190] : memref<3x128x256xf32, #tpu.memory_space<vmem>> -> memref<1x128x256xf32, #tpu.memory_space<vmem>>
    %dma_wait3A_192 = tpu.memref_squeeze %dma_wait3A_191 : memref<1x128x256xf32, #tpu.memory_space<vmem>> -> memref<128x256xf32, #tpu.memory_space<vmem>>
    tpu.wait_dma2 semaphore(%arg12 : memref<!tpu.dma_semaphore, #tpu.memory_space<semaphore_mem>>) src(%dma_wait3A_192 : memref<128x256xf32, #tpu.memory_space<vmem>>) dst(%dma_wait3A_188 : memref<128x256xf32, #tpu.memory_space<hbm>>)
    return
  }
}

</mosaic_0001>

<sc_bundles>
// kernel: kernel.3.cloned.1.call-start
scs
__scs_entry_jumppad:
0x0: {  	(pc) =	sbr.rel $0x88, $3  }
0x1: {  	(tag) =	ssettag $0x0;
	lr =	simm.s32 $0x1  }
0x2: {  	[smem:$0x3F9F] =	sst lr;
	_ =	strace $0xD0000000  }
0x3: {  	_ = 	snop  }
0x4: {  	_ = 	snop  }
0x5: {  	_ = 	snop  }
0x6: {  	_ = 	snop  }
0x7: {  	_ = 	snop  }
__scs_overlays_trampoline_lowered:
0x8: {  	[smem:$0x3FAE] =	sst s0  }
0x9: {  	[smem:$0x3FAF] =	sst s1  }
0xa: {  	[smem:$0x3FB0] =	sst s2  }
0xb: {  	[smem:$0x3FB1] =	sst s3  }
0xc: {  	[smem:$0x3FB2] =	sst s4  }
0xd: {  	[smem:$0x3FB3] =	sst s5  }
0xe: {  	[smem:$0x3FB4] =	sst s6  }
0xf: {  	[smem:$0x3FB5] =	sst s7  }
0x10: {  	[smem:$0x3FB6] =	sst s8  }
0x11: {  	[smem:$0x3FB7] =	sst s9;
	s0 =	simm.s32 @!p0 $0x0  }
0x12: {  	s1 =	sld [smem:$0x3F9D];
	s0 =	simm.s32 @p0 $0x1  }
0x13: {  	[smem:$0x3FB8] =	sst s0;
	s0 =	simm.s32 @!p1 $0x0  }
0x14: {  	s2 =	sld [smem:$0x3F9C];
	s0 =	simm.s32 @p1 $0x1  }
0x15: {  	[smem:$0x3FB9] =	sst s0;
	s0 =	simm.s32 @!p2 $0x0  }
0x16: {  	s3 =	sld [smem:$0x3FDB];
	s0 =	simm.s32 @p2 $0x1  }
0x17: {  	s4 =	simm.s32 $0x1BF5;
	[smem:$0x3FBB] =	sst s0  }
0x18: {  	s0 =	sld [smem:$0x3F9E];
	_ =	swait.ge [sflag:s4], $0x0  }
0x19: {  	s7 =	sld [smem:$0x3F9F]  }
0x1a: {  	s8 =	sadd.s32 $0xFFFFE003, lr  }
0x1b: {  	s9 =	sadd.s32 $0xFFFFFEF7, lr;
	s5 =	simm.s32 $0xFFFFFFFF;
	p2 =	slt.u32 s8, $0xFFFFF086  }
0x1c: {  	p1 =	slt.u32 s9, $0xF7A;
	s5 =	simm.s32 @!p2 $0x0  }
0x1d: {  	s5 =	simm.s32 @p1 $0x1;
	p0 =	seq.s32 s7, s2  }
0x1e: {  	s7 =	smul.u32 @!p0 $0xF7A, s2;
	p2 =	seq.s32 @!p0 s5, $0x0  }
0x1f: {  	s9 =	smul.u32 $0xF7A, s1;
	s8 =	simm.s32 @!p0 $0x1BF5;
	p2 =	por !p2, p0  }
0x20: {  	[sflag:s8] =	ssyncset.s32 @!p0 $0xFFFFF086;
	s6 =	sadd.s32 @!p0 s3, s7;
	s7 =	simm.s32 @!p0 $0x108  }
0x21: {  	s3 =	sadd.s32 s3, s9;
	s6 =	sadd.s32 @!p0 $0x88, s6;
	s7 =	simm.s32 @p2 $0x1082  }
0x22: {  	[simem:s7], [sflag:s8] =	dma.local @!p0 [hbm:s6], $0xF7A  }
0x23: {  	s9 =	sor.u32 $0xD0000000, s2;
	s6 =	simm.s32 $0x108;
	_ =	swait.ge @!p0 [sflag:s8], $0x0  }
0x24: {  	s3 =	sadd.s32 $0x88, s3;
	s6 =	simm.s32 @!p1 $0x1082;
	[sflag:s4] =	ssyncset.s32 $0xFFFFF086  }
0x25: {  	[simem:s6], [sflag:s4] =	dma.local [hbm:s3], $0xF7A  }
0x26: {  	[smem:$0x3F9F] =	sst s1;
	(tag) =	ssettag s2;
	_ =	strace s9  }
0x27: {  	s1 =	sld [smem:$0x3FAF]  }
0x28: {  	s2 =	sld [smem:$0x3FB0]  }
0x29: {  	s4 =	sld [smem:$0x3FB2]  }
0x2a: {  	p0 =	seq.s32 s5, $0x0;
	s5 =	sld [smem:$0x3FB3]  }
0x2b: {  	s6 =	sld [smem:$0x3FB4]  }
0x2c: {  	s7 =	sld [smem:$0x3FB5]  }
0x2d: {  	s3 =	simm.s32 $0x108;
	s8 =	sld [smem:$0x3FB6]  }
0x2e: {  	s3 =	simm.s32 @!p0 $0x1082;
	s9 =	sld [smem:$0x3FB7]  }
0x2f: {  	lr =	sadd.s32 s0, s3;
	s0 =	sld [smem:$0x3FAE]  }
0x30: {  	s3 =	sld [smem:$0x3FB1]  }
0x31: {  	[smem:$0x3FBA] =	sst s10  }
0x32: {  	s10 =	sld [smem:$0x3FB8];
	_ =	sdelay $0x3  }
0x33: {  	p0 =	seq.s32 s10, $0x1;
	s10 =	sld [smem:$0x3FBA];
	_ =	sdelay $0x3  }
0x34: {  	[smem:$0x3FBA] =	sst s10  }
0x35: {  	s10 =	sld [smem:$0x3FB9];
	_ =	sdelay $0x3  }
0x36: {  	p1 =	seq.s32 s10, $0x1;
	s10 =	sld [smem:$0x3FBA];
	_ =	sdelay $0x3  }
0x37: {  	[smem:$0x3FBA] =	sst s10  }
0x38: {  	s10 =	sld [smem:$0x3FBB]  }
0x39: {  	_ = 	snop;
	(pc) =	sbr.ind lr, $3  }
0x3a: {  	_ = 	snop  }
0x3b: {  	_ = 	snop  }
0x3c: {  	p2 =	seq.s32 s10, $0x1;
	s10 =	sld [smem:$0x3FBA]  }
0x3d: {  	_ =	shalt  }
0x3e: {  	_ =	shalt  }
0x3f: {  	_ =	shalt  }
0x40: {  	_ =	shalt  }
0x41: {  	_ =	shalt  }
0x42: {  	_ =	shalt  }
0x43: {  	_ =	shalt  }
0x44: {  	_ =	shalt  }
0x45: {  	_ =	shalt  }
0x46: {  	_ =	shalt  }
0x47: {  	_ =	shalt  }
0x48: {  	_ =	shalt  }
0x49: {  	_ =	shalt  }
0x4a: {  	_ =	shalt  }
0x4b: {  	_ =	shalt  }
0x4c: {  	_ =	shalt  }
0x4d: {  	_ =	shalt  }
0x4e: {  	_ =	shalt  }
0x4f: {  	_ =	shalt  }
0x50: {  	_ =	shalt  }
0x51: {  	_ =	shalt  }
0x52: {  	_ =	shalt  }
0x53: {  	_ =	shalt  }
0x54: {  	_ =	shalt  }
0x55: {  	_ =	shalt  }
0x56: {  	_ =	shalt  }
0x57: {  	_ =	shalt  }
0x58: {  	_ =	shalt  }
0x59: {  	_ =	shalt  }
0x5a: {  	_ =	shalt  }
0x5b: {  	_ =	shalt  }
0x5c: {  	_ =	shalt  }
0x5d: {  	_ =	shalt  }
0x5e: {  	_ =	shalt  }
0x5f: {  	_ =	shalt  }
0x60: {  	_ =	shalt  }
0x61: {  	_ =	shalt  }
0x62: {  	_ =	shalt  }
0x63: {  	_ =	shalt  }
0x64: {  	_ =	shalt  }
0x65: {  	_ =	shalt  }
0x66: {  	_ =	shalt  }
0x67: {  	_ =	shalt  }
0x68: {  	_ =	shalt  }
0x69: {  	_ =	shalt  }
0x6a: {  	_ =	shalt  }
0x6b: {  	_ =	shalt  }
0x6c: {  	_ =	shalt  }
0x6d: {  	_ =	shalt  }
0x6e: {  	_ =	shalt  }
0x6f: {  	_ =	shalt  }
0x70: {  	_ =	shalt  }
0x71: {  	_ =	shalt  }
0x72: {  	_ =	shalt  }
0x73: {  	_ =	shalt  }
0x74: {  	_ =	shalt  }
0x75: {  	_ =	shalt  }
0x76: {  	_ =	shalt  }
0x77: {  	_ =	shalt  }
0x78: {  	_ =	shalt  }
0x79: {  	_ =	shalt  }
0x7a: {  	_ =	shalt  }
0x7b: {  	_ =	shalt  }
0x7c: {  	_ =	shalt  }
0x7d: {  	_ =	shalt  }
0x7e: {  	_ =	shalt  }
0x7f: {  	_ =	shalt  }
0x80: {  	_ =	shalt  }
0x81: {  	_ =	shalt  }
0x82: {  	_ =	shalt  }
0x83: {  	_ =	shalt  }
0x84: {  	_ =	shalt  }
0x85: {  	_ =	shalt  }
0x86: {  	_ =	shalt  }
0x87: {  	_ =	shalt  }
.Lfunc_end0:
.L_simem_size_0:
called_computation_lowered:
.L_overlay_start_0:
0x88: {  	s2 =	sld [smem:$0x3FD9]  }
0x89: {  	s3 =	sld [smem:$0x3FFE];
	_ =	sdelay $0x1  }
0x8a: {  	s1 =	srdreg.scid  }
0x8b: {  	s0 =	sand.u32 $0x1, s1  }
0x8c: {  	s18 =	sshll.u32 s0, $0xA;
	s2 =	sadd.s32 s3, s2  }
0x8d: {  	s2 =	sadd.s32 s2, s18  }
0x8e: {  	[smem:$0x3FC6] =	sst s2  }
0x8f: {  	_ = 	snop  }
0x90: {  	s2 =	sld [smem:$0x3FC9]  }
0x91: {  	s19 =	sld [smem:$0x3FC8]  }
0x92: {  	s4 =	sld [smem:$0x3FD0];
	(tm) =	ssettm $0x1  }
0x93: {  	s5 =	sld [smem:$0x3FFB];
	_ =	sdelay $0x3  }
0x94: {  	_ =	strace s5  }
0x95: {  	s5 =	sld [smem:$0x3FFC];
	_ =	sdelay $0x3  }
0x96: {  	_ =	strace s5  }
0x97: {  	s5 =	sld [smem:$0x3FFD];
	_ =	sdelay $0x3  }
0x98: {  	_ =	strace s5  }
0x99: {  	_ =	strace $0x8FFFFFFF  }
0x9a: {  	s20 =	sld [smem:$0x3FDB];
	_ =	sdelay $0x1  }
0x9b: {  	s6 =	simm.s32 $_scs_section_size  }
0x9c: {  	s7 =	simm.s32 $_size__tile_overlayer_lowered;
	s8 =	simm.s32 $_tile_overlayer_lowered  }
0x9d: {  	s23 =	simm.s32 $0x1BFF;
	s22 =	sshll.u32 s8, $0x1;
	s5 =	sadd.s32 s6, s20  }
0x9e: {  	s9 =	simm.s32 $0x0;
	s21 =	sshll.u32 s7, $0x1;
	s7 =	sadd.s32 s22, s5  }
0x9f: {  	[timem:s9], [sflag:s23] =	dma.local [hbm:s7], s21  }
0xa0: {  	_ =	swait.ge [sflag:s23], s21  }
0xa1: {  	s6 =	ssub.s32 $0x0, s21;
	[sflag:s23] =	ssyncset.done $0x0  }
0xa2: {  	[sflag:s23] =	ssyncadd.s32 s6;
	_ =	sdelay $0x1  }
0xa3: {  	s24 =	simm.s32 $0x1B8B  }
0xa4: {  	_ =	swait.ge [sflag:s24], $0x1  }
0xa5: {  	[sflag:s24] =	ssyncset.done $0x0  }
0xa6: {  	s25 =	simm.s32 $0x1B8E;
	[sflag:s24] =	ssyncadd.s32 $0xFFFFFFFF  }
0xa7: {  	s26 =	simm.s32 $execute0_lowered;
	[smem:$0x3FD2] =	sst s25  }
0xa8: {  	s6 =	sshll.u32 s26, $0x1;
	_ =	strace $0x80000046;
	[dreg:$0x1] =	wrdreg $0xFFFFFFFF  }
0xa9: {  	s28 =	simm.s32 $_size_execute0_lowered;
	s5 =	sadd.s32 s5, s6;
	[dreg:$0x0] =	wrdreg $0x0  }
0xaa: {  	s6 =	sshll.u32 s28, $0x1;
	[dreg:$0x2] =	wrdreg s5  }
0xab: {  	[dreg:$0x3] =	wrdreg s6  }
0xac: {  	[dreg:$0x4] =	wrdreg $0xC0  }
0xad: {  	_ =	task [dreg:s9], $0x5FFFF  }
0xae: {  	[dreg:$0x1] =	wrdreg $0xFFFFFFFF  }
0xaf: {  	[dreg:$0x0] =	wrdreg $0x60  }
0xb0: {  	[dreg:$0x2] =	wrdreg s2  }
0xb1: {  	[dreg:$0x3] =	wrdreg s19  }
0xb2: {  	[dreg:$0x4] =	wrdreg s4  }
0xb3: {  	[dreg:$0x5] =	wrdreg $0x9  }
0xb4: {  	_ =	task.clear_ibuf [dreg:s9], $0x6FFFF;
	_ =	strace $0x90000046  }
0xb5: {  	s29 =	simm.s32 $0x9;
	_ =	strace $0x80000048  }
0xb6: {  	_ =	swait.ge [sflag:s29], $0x1  }
0xb7: {  	[sflag:s29] =	ssyncadd.s32 $0xFFFFFFFF  }
0xb8: {  	_ =	strace $0x90000048  }
0xb9: {  	_ =	sfence  }
0xba: {  	s30 =	sld [smem:$0x0];
	_ =	sdelay $0x2  }
0xbb: {  	s31 =	sshll.u32 s1, $0xD;
	s1 =	sshrl.u32 s1, $0x2  }
0xbc: {  	s3 =	sand.u32 $0x4000, s31;
	s1 =	sadd.s32 s1, s30  }
0xbd: {  	s0 =	sor.u32 s3, s0;
	s1 =	sshll.u32 s1, $0x11  }
0xbe: {  	s0 =	sor.u32 s1, s0  }
0xbf: {  	s0 =	sadd.s32 $0x8F2B, s0  }
0xc0: {  	[sflag:s0] =	ssyncadd.remote.s32 $0x1  }
0xc1: {  	_ =	sfence.sel $0xFFFF  }
0xc2: {  	[dreg:$0x0] =	wrdreg $0xFFFFFFFF;
	(pc) =	sbr.abs _section_cstart, $3  }
0xc3: {  	[dreg:$0x1] =	wrdreg $0xFFFFFFFF  }
0xc4: {  	_ =	task.clear_ibuf [dreg:s9], $0x2FFFF;
	_ =	strace $0x9FFFFFFF  }
0xc5: {  	(tm) =	ssettm $0x7FFFFFFF  }
tec
execute0_lowered:
.L_overlay_start_1:
0x0: {  	(tag) =	ssettag $0x1  }
0x1: {  	s1 =	rddreg [dreg:$0x0]  }
0x2: {  	s3 =	srdreg.scid;
	s2 =	rddreg [dreg:$0x1]  }
0x3: {  	s4 =	rddreg [dreg:$0x2];
	s5 =	sand.u32 $0x1, s3;
	s3 =	simm.s32 $0x0  }
0x4: {  	s18 =	simm.s32 $0x8A00;
	[smem:$0x7FF] =	sst s3  }
0x5: {  	s19 =	simm.s32 $0x9200;
	_ =	strace $0x80000047;
	[dreg:$0x8] =	wrdreg s18  }
0x6: {  	s0 =	stileid.u32;
	s20 =	simm.s32 $0x9A00;
	[dreg:$0x9] =	wrdreg s19  }
0x7: {  	s21 =	simm.s32 $0xA200;
	s22 =	simm.s32 $0xAA00;
	[dreg:$0xa] =	wrdreg s20  }
0x8: {  	s23 =	simm.s32 $0xB200;
	s24 =	simm.s32 $0xBA00;
	[dreg:$0xb] =	wrdreg s21  }
0x9: {  	s25 =	simm.s32 $0xC200;
	s8 =	simm.s32 $0xDA00;
	[dreg:$0xc] =	wrdreg s22  }
0xa: {  	s9 =	simm.s32 $0xE200;
	s10 =	simm.s32 $0xEA00;
	[dreg:$0xd] =	wrdreg s23  }
0xb: {  	s11 =	simm.s32 $0xF200;
	s12 =	simm.s32 $0xFA00;
	[dreg:$0xe] =	wrdreg s24  }
0xc: {  	s6 =	sshll.u32 s0, $0xA;
	s0 =	simm.s32 $0xCA00;
	[dreg:$0xf] =	wrdreg s25  }
0xd: {  	s13 =	simm.s32 $0x10A00;
	s14 =	simm.s32 $0x11200;
	[dreg:$0x10] =	wrdreg s0  }
0xe: {  	s28 =	simm.s32 $0x4;
	s29 =	simm.s32 $0x2;
	[dreg:$0x12] =	wrdreg s8  }
0xf: {  	s30 =	simm.s32 $0x3;
	s31 =	simm.s32 $0x5;
	[dreg:$0x13] =	wrdreg s9  }
0x10: {  	s7 =	sshll.u32 s5, $0x9;
	s5 =	ssub.s32 $0x2, s5;
	[dreg:$0x14] =	wrdreg s10  }
0x11: {  	s6 =	sor.u32 s7, s6;
	s26 =	sshrl.u32 s5, $0x1;
	[dreg:$0x15] =	wrdreg s11  }
0x12: {  	s8 =	simm.s32 $0xA00;
	s9 =	simm.s32 $0x1200;
	[dreg:$0x16] =	wrdreg s12  }
0x13: {  	s10 =	simm.s32 $0x1A00;
	s11 =	simm.s32 $0x2200;
	[dreg:$0x17] =	wrdreg s13  }
0x14: {  	s12 =	simm.s32 $0x2A00;
	[dreg:$0x18] =	wrdreg s14;
	s13 =	simm.s32 $0x3200  }
0x15: {  	s14 =	simm.s32 $0x3A00;
	s18 =	simm.s32 $0x13200;
	s19 =	simm.s32 $0x13A00  }
0x16: {  	s20 =	simm.s32 $0x14200;
	s21 =	simm.s32 $0x14A00;
	[dreg:$0x1c] =	wrdreg s18  }
0x17: {  	s22 =	simm.s32 $0x15200;
	s23 =	simm.s32 $0x15A00;
	[dreg:$0x1d] =	wrdreg s19  }
0x18: {  	s24 =	simm.s32 $0x16200;
	s25 =	simm.s32 $0x16A00;
	[dreg:$0x1e] =	wrdreg s20  }
0x19: {  	s7 =	sshrl.u32 s6, $0x3;
	s6 =	sshll.u32 s6, $0x5;
	[dreg:$0x1f] =	wrdreg s21  }
0x1a: {  	s5 =	ssub.s32 s5, s26;
	s18 =	simm.s32 $0x5A00;
	[smem:$0x7F9] =	sst s22  }
0x1b: {  	s19 =	simm.s32 $0x6200;
	s20 =	simm.s32 $0x6A00;
	[smem:$0x7FA] =	sst s23  }
0x1c: {  	s21 =	simm.s32 $0x7200;
	s22 =	simm.s32 $0x7A00;
	[smem:$0x7FB] =	sst s24  }
0x1d: {  	s23 =	simm.s32 $0x8200;
	[smem:$0x7FC] =	sst s25;
	s26 =	simm.s32 $0x17200  }
0x1e: {  	s24 =	simm.s32 $0x10200;
	s1 =	sadd.s32 s1, s7;
	[smem:$0x7FD] =	sst s26  }
0x1f: {  	s4 =	sadd.s32 s4, s6;
	s7 =	simm.s32 $0xD200;
	[dreg:$0x4] =	wrdreg s1  }
0x20: {  	s5 =	smax.u32 s5, $0x1;
	s15 =	sadd.s32 $0x1000, s4;
	[dreg:$0x11] =	wrdreg s7  }
0x21: {  	s6 =	simm.s32 $0x7;
	s16 =	sadd.s32 $0x2000, s4;
	[dreg:$0x5] =	wrdreg s15  }
0x22: {  	s26 =	simm.s32 $0x1;
	s17 =	sadd.s32 $0x3000, s4;
	[dreg:$0x6] =	wrdreg s16  }
0x23: {  	s7 =	simm.s32 $0x200;
	[dreg:$0x7] =	wrdreg s17;
	s15 =	simm.s32 $0x11A00  }
0x24: {  	v2 =	vlaneseq.u32;
	s1 =	simm.s32 $0x6;
	s16 =	simm.s32 $0x12200;
	[dreg:$0x19] =	wrdreg s15  }
0x25: {  	vm0 =	vmmov $0xffff;
	v1 =	vshrl.u32 v2, $0x3;
	s17 =	simm.s32 $0x12A00;
	[dreg:$0x1a] =	wrdreg s16;
	s15 =	simm.s32 $0x4200  }
0x26: {  	v0 =	vand.u32 $0x7, v2;
	v2 =	vor.u32 $0x8, v2;
	v1 =	vmul.u32 $0x8, v1;
	[dreg:$0x1b] =	wrdreg s17;
	s16 =	simm.s32 $0x4A00;
	s17 =	simm.s32 $0x5200  }
.LBB2_1:
0x27: {  	s0 =	rddreg [dreg:$0x4]  }
0x28: {  	[tilespmem:s3], [sflag:$0x7] =	stream.linear.gather [hbm4b:s0+s3], $0x200, $0x38;
	[tilespmem:$0x18200] =	vst v63  }
0x29: {  	_ =	swait.ge [sflag:s6], $0x200  }
0x2a: {  	[sflag:s6] =	ssyncset.done $0x0  }
0x2b: {  	[sflag:s6] =	ssyncadd.s32 $0xFFFFFE00  }
0x2c: {  	v3 =	vld [tilespmem:$0x0];
	_ =	sdelay $0x4  }
0x2d: {  	v4 =	vshll.u32 v3, $0x1  }
0x2e: {  	v3 =	vand.u32 $0x7, v3;
	v4 =	vand.u32 $0xFFFFFFF0, v4  }
0x2f: {  	v3 =	vor.u32 v3, v4  }
0x30: {  	v4 =	vperm.xlane v3, v0;
	_ =	sdelay $0x1  }
0x31: {  	v3 =	vperm.xlane v3, v2;
	v4 =	vadd.s32 v1, v4;
	_ =	sdelay $0x1  }
0x32: {  	v3 =	vadd.s32 v1, v3;
	_ =	sdelay $0x2  }
0x33: {  	[tilespmem:s7], [sflag:$0x1] =	stream.indirect_vreg.gather [hbm4b:s2+s3], $0x80, v4, vm0, $0xb8;
	[tilespmem:$0x18200] =	vst v63  }
0x34: {  	_ = 	snop  }
0x35: {  	[tilespmem:s8], [sflag:$0x1] =	stream.indirect_vreg.gather [hbm4b:s2+s3], $0x80, v3, vm0, $0xb8;
	[tilespmem:$0x18200] =	vst v63  }
0x36: {  	v3 =	vld [tilespmem:$0x10];
	_ =	sdelay $0x4  }
0x37: {  	v33 =	vshll.u32 v3, $0x1  }
0x38: {  	v3 =	vand.u32 $0x7, v3;
	v4 =	vand.u32 $0xFFFFFFF0, v33  }
0x39: {  	v3 =	vor.u32 v3, v4  }
0x3a: {  	v4 =	vperm.xlane v3, v0;
	_ =	sdelay $0x1  }
0x3b: {  	v3 =	vperm.xlane v3, v2;
	v4 =	vadd.s32 v1, v4;
	_ =	sdelay $0x1  }
0x3c: {  	v3 =	vadd.s32 v1, v3;
	_ =	sdelay $0x2  }
0x3d: {  	[tilespmem:s9], [sflag:$0x1] =	stream.indirect_vreg.gather [hbm4b:s2+s3], $0x80, v4, vm0, $0xb8;
	[tilespmem:$0x18200] =	vst v63  }
0x3e: {  	_ = 	snop  }
0x3f: {  	[tilespmem:s10], [sflag:$0x1] =	stream.indirect_vreg.gather [hbm4b:s2+s3], $0x80, v3, vm0, $0xb8;
	[tilespmem:$0x18200] =	vst v63  }
0x40: {  	v3 =	vld [tilespmem:$0x20];
	_ =	sdelay $0x4  }
0x41: {  	v34 =	vshll.u32 v3, $0x1  }
0x42: {  	v3 =	vand.u32 $0x7, v3;
	v4 =	vand.u32 $0xFFFFFFF0, v34  }
0x43: {  	v3 =	vor.u32 v3, v4  }
0x44: {  	v4 =	vperm.xlane v3, v0;
	_ =	sdelay $0x1  }
0x45: {  	v3 =	vperm.xlane v3, v2;
	v4 =	vadd.s32 v1, v4;
	_ =	sdelay $0x1  }
0x46: {  	v3 =	vadd.s32 v1, v3;
	_ =	sdelay $0x2  }
0x47: {  	[tilespmem:s11], [sflag:$0x1] =	stream.indirect_vreg.gather [hbm4b:s2+s3], $0x80, v4, vm0, $0xb8;
	[tilespmem:$0x18200] =	vst v63  }
0x48: {  	_ = 	snop  }
0x49: {  	[tilespmem:s12], [sflag:$0x1] =	stream.indirect_vreg.gather [hbm4b:s2+s3], $0x80, v3, vm0, $0xb8;
	[tilespmem:$0x18200] =	vst v63  }
0x4a: {  	v3 =	vld [tilespmem:$0x30];
	_ =	sdelay $0x4  }
0x4b: {  	v35 =	vshll.u32 v3, $0x1  }
0x4c: {  	v3 =	vand.u32 $0x7, v3;
	v4 =	vand.u32 $0xFFFFFFF0, v35  }
0x4d: {  	v3 =	vor.u32 v3, v4  }
0x4e: {  	v4 =	vperm.xlane v3, v0;
	_ =	sdelay $0x1  }
0x4f: {  	v3 =	vperm.xlane v3, v2;
	v4 =	vadd.s32 v1, v4;
	_ =	sdelay $0x1  }
0x50: {  	v3 =	vadd.s32 v1, v3;
	_ =	sdelay $0x2  }
0x51: {  	[tilespmem:s13], [sflag:$0x1] =	stream.indirect_vreg.gather [hbm4b:s2+s3], $0x80, v4, vm0, $0xb8;
	[tilespmem:$0x18200] =	vst v63  }
0x52: {  	_ = 	snop  }
0x53: {  	[tilespmem:s14], [sflag:$0x1] =	stream.indirect_vreg.gather [hbm4b:s2+s3], $0x80, v3, vm0, $0xb8;
	[tilespmem:$0x18200] =	vst v63  }
0x54: {  	v3 =	vld [tilespmem:$0x40];
	_ =	sdelay $0x4  }
0x55: {  	v36 =	vshll.u32 v3, $0x1  }
0x56: {  	v3 =	vand.u32 $0x7, v3;
	v4 =	vand.u32 $0xFFFFFFF0, v36  }
0x57: {  	v3 =	vor.u32 v3, v4  }
0x58: {  	v4 =	vperm.xlane v3, v0;
	_ =	sdelay $0x1  }
0x59: {  	v3 =	vperm.xlane v3, v2;
	v4 =	vadd.s32 v1, v4;
	_ =	sdelay $0x1  }
0x5a: {  	v3 =	vadd.s32 v1, v3;
	_ =	sdelay $0x2  }
0x5b: {  	[tilespmem:s15], [sflag:$0x1] =	stream.indirect_vreg.gather [hbm4b:s2+s3], $0x80, v4, vm0, $0xb8;
	[tilespmem:$0x18200] =	vst v63  }
0x5c: {  	_ = 	snop  }
0x5d: {  	[tilespmem:s16], [sflag:$0x1] =	stream.indirect_vreg.gather [hbm4b:s2+s3], $0x80, v3, vm0, $0xb8;
	[tilespmem:$0x18200] =	vst v63  }
0x5e: {  	v3 =	vld [tilespmem:$0x50];
	_ =	sdelay $0x4  }
0x5f: {  	v37 =	vshll.u32 v3, $0x1  }
0x60: {  	v3 =	vand.u32 $0x7, v3;
	v4 =	vand.u32 $0xFFFFFFF0, v37  }
0x61: {  	v3 =	vor.u32 v3, v4  }
0x62: {  	v4 =	vperm.xlane v3, v0;
	_ =	sdelay $0x1  }
0x63: {  	v3 =	vperm.xlane v3, v2;
	v4 =	vadd.s32 v1, v4;
	_ =	sdelay $0x1  }
0x64: {  	v3 =	vadd.s32 v1, v3;
	_ =	sdelay $0x2  }
0x65: {  	[tilespmem:s17], [sflag:$0x1] =	stream.indirect_vreg.gather [hbm4b:s2+s3], $0x80, v4, vm0, $0xb8;
	[tilespmem:$0x18200] =	vst v63  }
0x66: {  	_ = 	snop  }
0x67: {  	[tilespmem:s18], [sflag:$0x1] =	stream.indirect_vreg.gather [hbm4b:s2+s3], $0x80, v3, vm0, $0xb8;
	[tilespmem:$0x18200] =	vst v63  }
0x68: {  	v3 =	vld [tilespmem:$0x60];
	_ =	sdelay $0x4  }
0x69: {  	v38 =	vshll.u32 v3, $0x1  }
0x6a: {  	v3 =	vand.u32 $0x7, v3;
	v4 =	vand.u32 $0xFFFFFFF0, v38  }
0x6b: {  	v3 =	vor.u32 v3, v4  }
0x6c: {  	v4 =	vperm.xlane v3, v0;
	_ =	sdelay $0x1  }
0x6d: {  	v3 =	vperm.xlane v3, v2;
	v4 =	vadd.s32 v1, v4;
	_ =	sdelay $0x1  }
0x6e: {  	v3 =	vadd.s32 v1, v3;
	_ =	sdelay $0x2  }
0x6f: {  	[tilespmem:s19], [sflag:$0x1] =	stream.indirect_vreg.gather [hbm4b:s2+s3], $0x80, v4, vm0, $0xb8;
	[tilespmem:$0x18200] =	vst v63  }
0x70: {  	_ = 	snop  }
0x71: {  	[tilespmem:s20], [sflag:$0x1] =	stream.indirect_vreg.gather [hbm4b:s2+s3], $0x80, v3, vm0, $0xb8;
	[tilespmem:$0x18200] =	vst v63  }
0x72: {  	v3 =	vld [tilespmem:$0x70];
	_ =	sdelay $0x4  }
0x73: {  	v39 =	vshll.u32 v3, $0x1  }
0x74: {  	v3 =	vand.u32 $0x7, v3;
	v4 =	vand.u32 $0xFFFFFFF0, v39  }
0x75: {  	v3 =	vor.u32 v3, v4  }
0x76: {  	v4 =	vperm.xlane v3, v0;
	_ =	sdelay $0x1  }
0x77: {  	v3 =	vperm.xlane v3, v2;
	v4 =	vadd.s32 v1, v4;
	_ =	sdelay $0x1  }
0x78: {  	v3 =	vadd.s32 v1, v3;
	_ =	sdelay $0x2  }
0x79: {  	[tilespmem:s21], [sflag:$0x1] =	stream.indirect_vreg.gather [hbm4b:s2+s3], $0x80, v4, vm0, $0xb8;
	[tilespmem:$0x18200] =	vst v63  }
0x7a: {  	_ = 	snop  }
0x7b: {  	[tilespmem:s22], [sflag:$0x1] =	stream.indirect_vreg.gather [hbm4b:s2+s3], $0x80, v3, vm0, $0xb8;
	[tilespmem:$0x18200] =	vst v63  }
0x7c: {  	v3 =	vld [tilespmem:$0x80];
	_ =	sdelay $0x4  }
0x7d: {  	v40 =	vshll.u32 v3, $0x1  }
0x7e: {  	v3 =	vand.u32 $0x7, v3;
	v4 =	vand.u32 $0xFFFFFFF0, v40  }
0x7f: {  	v3 =	vor.u32 v3, v4  }
0x80: {  	v4 =	vperm.xlane v3, v0;
	_ =	sdelay $0x1  }
0x81: {  	v3 =	vperm.xlane v3, v2;
	v4 =	vadd.s32 v1, v4;
	_ =	sdelay $0x1  }
0x82: {  	v3 =	vadd.s32 v1, v3;
	_ =	sdelay $0x2  }
0x83: {  	[tilespmem:s23], [sflag:$0x2] =	stream.indirect_vreg.gather [hbm4b:s2+s3], $0x80, v4, vm0, $0xb8;
	[tilespmem:$0x18200] =	vst v63  }
0x84: {  	s25 =	rddreg [dreg:$0x8]  }
0x85: {  	[tilespmem:s25], [sflag:$0x2] =	stream.indirect_vreg.gather [hbm4b:s2+s3], $0x80, v3, vm0, $0xb8;
	[tilespmem:$0x18200] =	vst v63  }
0x86: {  	v3 =	vld [tilespmem:$0x90];
	_ =	sdelay $0x4  }
0x87: {  	v41 =	vshll.u32 v3, $0x1  }
0x88: {  	v3 =	vand.u32 $0x7, v3;
	v4 =	vand.u32 $0xFFFFFFF0, v41  }
0x89: {  	v3 =	vor.u32 v3, v4  }
0x8a: {  	v4 =	vperm.xlane v3, v0;
	_ =	sdelay $0x1  }
0x8b: {  	v3 =	vperm.xlane v3, v2;
	v4 =	vadd.s32 v1, v4;
	_ =	sdelay $0x1  }
0x8c: {  	v3 =	vadd.s32 v1, v3;
	_ =	sdelay $0x1  }
0x8d: {  	s0 =	rddreg [dreg:$0x9]  }
0x8e: {  	[tilespmem:s0], [sflag:$0x2] =	stream.indirect_vreg.gather [hbm4b:s2+s3], $0x80, v4, vm0, $0xb8;
	[tilespmem:$0x18200] =	vst v63  }
0x8f: {  	s25 =	rddreg [dreg:$0xa]  }
0x90: {  	[tilespmem:s25], [sflag:$0x2] =	stream.indirect_vreg.gather [hbm4b:s2+s3], $0x80, v3, vm0, $0xb8;
	[tilespmem:$0x18200] =	vst v63  }
0x91: {  	v3 =	vld [tilespmem:$0xA0];
	_ =	sdelay $0x4  }
0x92: {  	v42 =	vshll.u32 v3, $0x1  }
0x93: {  	v3 =	vand.u32 $0x7, v3;
	v4 =	vand.u32 $0xFFFFFFF0, v42  }
0x94: {  	v3 =	vor.u32 v3, v4  }
0x95: {  	v4 =	vperm.xlane v3, v0;
	_ =	sdelay $0x1  }
0x96: {  	v3 =	vperm.xlane v3, v2;
	v4 =	vadd.s32 v1, v4;
	_ =	sdelay $0x1  }
0x97: {  	v3 =	vadd.s32 v1, v3;
	_ =	sdelay $0x1  }
0x98: {  	s0 =	rddreg [dreg:$0xb]  }
0x99: {  	[tilespmem:s0], [sflag:$0x2] =	stream.indirect_vreg.gather [hbm4b:s2+s3], $0x80, v4, vm0, $0xb8;
	[tilespmem:$0x18200] =	vst v63  }
0x9a: {  	s25 =	rddreg [dreg:$0xc]  }
0x9b: {  	[tilespmem:s25], [sflag:$0x2] =	stream.indirect_vreg.gather [hbm4b:s2+s3], $0x80, v3, vm0, $0xb8;
	[tilespmem:$0x18200] =	vst v63  }
0x9c: {  	v3 =	vld [tilespmem:$0xB0];
	_ =	sdelay $0x4  }
0x9d: {  	v43 =	vshll.u32 v3, $0x1  }
0x9e: {  	v3 =	vand.u32 $0x7, v3;
	v4 =	vand.u32 $0xFFFFFFF0, v43  }
0x9f: {  	v3 =	vor.u32 v3, v4  }
0xa0: {  	v4 =	vperm.xlane v3, v0;
	_ =	sdelay $0x1  }
0xa1: {  	v3 =	vperm.xlane v3, v2;
	v4 =	vadd.s32 v1, v4;
	_ =	sdelay $0x1  }
0xa2: {  	v3 =	vadd.s32 v1, v3;
	_ =	sdelay $0x1  }
0xa3: {  	s0 =	rddreg [dreg:$0xd]  }
0xa4: {  	[tilespmem:s0], [sflag:$0x2] =	stream.indirect_vreg.gather [hbm4b:s2+s3], $0x80, v4, vm0, $0xb8;
	[tilespmem:$0x18200] =	vst v63  }
0xa5: {  	s25 =	rddreg [dreg:$0xe]  }
0xa6: {  	[tilespmem:s25], [sflag:$0x2] =	stream.indirect_vreg.gather [hbm4b:s2+s3], $0x80, v3, vm0, $0xb8;
	[tilespmem:$0x18200] =	vst v63  }
0xa7: {  	v3 =	vld [tilespmem:$0xC0];
	_ =	sdelay $0x4  }
0xa8: {  	v44 =	vshll.u32 v3, $0x1  }
0xa9: {  	v3 =	vand.u32 $0x7, v3;
	v4 =	vand.u32 $0xFFFFFFF0, v44  }
0xaa: {  	v3 =	vor.u32 v3, v4  }
0xab: {  	v4 =	vperm.xlane v3, v0;
	_ =	sdelay $0x1  }
0xac: {  	v3 =	vperm.xlane v3, v2;
	v4 =	vadd.s32 v1, v4;
	_ =	sdelay $0x1  }
0xad: {  	v3 =	vadd.s32 v1, v3;
	_ =	sdelay $0x1  }
0xae: {  	s0 =	rddreg [dreg:$0xf]  }
0xaf: {  	[tilespmem:s0], [sflag:$0x2] =	stream.indirect_vreg.gather [hbm4b:s2+s3], $0x80, v4, vm0, $0xb8;
	[tilespmem:$0x18200] =	vst v63  }
0xb0: {  	s25 =	rddreg [dreg:$0x10]  }
0xb1: {  	[tilespmem:s25], [sflag:$0x2] =	stream.indirect_vreg.gather [hbm4b:s2+s3], $0x80, v3, vm0, $0xb8;
	[tilespmem:$0x18200] =	vst v63  }
0xb2: {  	v3 =	vld [tilespmem:$0xD0];
	_ =	sdelay $0x4  }
0xb3: {  	v45 =	vshll.u32 v3, $0x1  }
0xb4: {  	v3 =	vand.u32 $0x7, v3;
	v4 =	vand.u32 $0xFFFFFFF0, v45  }
0xb5: {  	v3 =	vor.u32 v3, v4  }
0xb6: {  	v4 =	vperm.xlane v3, v0;
	_ =	sdelay $0x1  }
0xb7: {  	v3 =	vperm.xlane v3, v2;
	v4 =	vadd.s32 v1, v4;
	_ =	sdelay $0x1  }
0xb8: {  	v3 =	vadd.s32 v1, v3;
	_ =	sdelay $0x1  }
0xb9: {  	s0 =	rddreg [dreg:$0x11]  }
0xba: {  	[tilespmem:s0], [sflag:$0x2] =	stream.indirect_vreg.gather [hbm4b:s2+s3], $0x80, v4, vm0, $0xb8;
	[tilespmem:$0x18200] =	vst v63  }
0xbb: {  	s25 =	rddreg [dreg:$0x12]  }
0xbc: {  	[tilespmem:s25], [sflag:$0x2] =	stream.indirect_vreg.gather [hbm4b:s2+s3], $0x80, v3, vm0, $0xb8;
	[tilespmem:$0x18200] =	vst v63  }
0xbd: {  	v3 =	vld [tilespmem:$0xE0];
	_ =	sdelay $0x4  }
0xbe: {  	v46 =	vshll.u32 v3, $0x1  }
0xbf: {  	v3 =	vand.u32 $0x7, v3;
	v4 =	vand.u32 $0xFFFFFFF0, v46  }
0xc0: {  	v3 =	vor.u32 v3, v4  }
0xc1: {  	v4 =	vperm.xlane v3, v0;
	_ =	sdelay $0x1  }
0xc2: {  	v3 =	vperm.xlane v3, v2;
	v4 =	vadd.s32 v1, v4;
	_ =	sdelay $0x1  }
0xc3: {  	v3 =	vadd.s32 v1, v3;
	_ =	sdelay $0x1  }
0xc4: {  	s0 =	rddreg [dreg:$0x13]  }
0xc5: {  	[tilespmem:s0], [sflag:$0x2] =	stream.indirect_vreg.gather [hbm4b:s2+s3], $0x80, v4, vm0, $0xb8;
	[tilespmem:$0x18200] =	vst v63  }
0xc6: {  	s25 =	rddreg [dreg:$0x14]  }
0xc7: {  	[tilespmem:s25], [sflag:$0x2] =	stream.indirect_vreg.gather [hbm4b:s2+s3], $0x80, v3, vm0, $0xb8;
	[tilespmem:$0x18200] =	vst v63  }
0xc8: {  	v3 =	vld [tilespmem:$0xF0];
	_ =	sdelay $0x4  }
0xc9: {  	v47 =	vshll.u32 v3, $0x1  }
0xca: {  	v3 =	vand.u32 $0x7, v3;
	v4 =	vand.u32 $0xFFFFFFF0, v47  }
0xcb: {  	v3 =	vor.u32 v3, v4  }
0xcc: {  	v4 =	vperm.xlane v3, v0;
	_ =	sdelay $0x1  }
0xcd: {  	v3 =	vperm.xlane v3, v2;
	v4 =	vadd.s32 v1, v4;
	_ =	sdelay $0x1  }
0xce: {  	v3 =	vadd.s32 v1, v3;
	_ =	sdelay $0x1  }
0xcf: {  	s0 =	rddreg [dreg:$0x15]  }
0xd0: {  	[tilespmem:s0], [sflag:$0x2] =	stream.indirect_vreg.gather [hbm4b:s2+s3], $0x80, v4, vm0, $0xb8;
	[tilespmem:$0x18200] =	vst v63  }
0xd1: {  	s25 =	rddreg [dreg:$0x16]  }
0xd2: {  	[tilespmem:s25], [sflag:$0x2] =	stream.indirect_vreg.gather [hbm4b:s2+s3], $0x80, v3, vm0, $0xb8;
	[tilespmem:$0x18200] =	vst v63  }
0xd3: {  	v3 =	vld [tilespmem:$0x100];
	_ =	sdelay $0x4  }
0xd4: {  	v48 =	vshll.u32 v3, $0x1  }
0xd5: {  	v3 =	vand.u32 $0x7, v3;
	v4 =	vand.u32 $0xFFFFFFF0, v48  }
0xd6: {  	v3 =	vor.u32 v3, v4  }
0xd7: {  	v4 =	vperm.xlane v3, v0;
	_ =	sdelay $0x1  }
0xd8: {  	v3 =	vperm.xlane v3, v2;
	v4 =	vadd.s32 v1, v4;
	_ =	sdelay $0x1  }
0xd9: {  	v3 =	vadd.s32 v1, v3;
	_ =	sdelay $0x2  }
0xda: {  	[tilespmem:s24], [sflag:$0x3] =	stream.indirect_vreg.gather [hbm4b:s2+s3], $0x80, v4, vm0, $0xb8;
	[tilespmem:$0x18200] =	vst v63  }
0xdb: {  	s25 =	rddreg [dreg:$0x17]  }
0xdc: {  	[tilespmem:s25], [sflag:$0x3] =	stream.indirect_vreg.gather [hbm4b:s2+s3], $0x80, v3, vm0, $0xb8;
	[tilespmem:$0x18200] =	vst v63  }
0xdd: {  	v3 =	vld [tilespmem:$0x110];
	_ =	sdelay $0x4  }
0xde: {  	v49 =	vshll.u32 v3, $0x1  }
0xdf: {  	v3 =	vand.u32 $0x7, v3;
	v4 =	vand.u32 $0xFFFFFFF0, v49  }
0xe0: {  	v3 =	vor.u32 v3, v4  }
0xe1: {  	v4 =	vperm.xlane v3, v0;
	_ =	sdelay $0x1  }
0xe2: {  	v3 =	vperm.xlane v3, v2;
	v4 =	vadd.s32 v1, v4;
	_ =	sdelay $0x1  }
0xe3: {  	v3 =	vadd.s32 v1, v3;
	_ =	sdelay $0x1  }
0xe4: {  	s0 =	rddreg [dreg:$0x18]  }
0xe5: {  	[tilespmem:s0], [sflag:$0x3] =	stream.indirect_vreg.gather [hbm4b:s2+s3], $0x80, v4, vm0, $0xb8;
	[tilespmem:$0x18200] =	vst v63  }
0xe6: {  	s25 =	rddreg [dreg:$0x19]  }
0xe7: {  	[tilespmem:s25], [sflag:$0x3] =	stream.indirect_vreg.gather [hbm4b:s2+s3], $0x80, v3, vm0, $0xb8;
	[tilespmem:$0x18200] =	vst v63  }
0xe8: {  	v3 =	vld [tilespmem:$0x120];
	_ =	sdelay $0x4  }
0xe9: {  	v50 =	vshll.u32 v3, $0x1  }
0xea: {  	v3 =	vand.u32 $0x7, v3;
	v4 =	vand.u32 $0xFFFFFFF0, v50  }
0xeb: {  	v3 =	vor.u32 v3, v4  }
0xec: {  	v4 =	vperm.xlane v3, v0;
	_ =	sdelay $0x1  }
0xed: {  	v3 =	vperm.xlane v3, v2;
	v4 =	vadd.s32 v1, v4;
	_ =	sdelay $0x1  }
0xee: {  	v3 =	vadd.s32 v1, v3;
	_ =	sdelay $0x1  }
0xef: {  	s0 =	rddreg [dreg:$0x1a]  }
0xf0: {  	[tilespmem:s0], [sflag:$0x3] =	stream.indirect_vreg.gather [hbm4b:s2+s3], $0x80, v4, vm0, $0xb8;
	[tilespmem:$0x18200] =	vst v63  }
0xf1: {  	s25 =	rddreg [dreg:$0x1b]  }
0xf2: {  	[tilespmem:s25], [sflag:$0x3] =	stream.indirect_vreg.gather [hbm4b:s2+s3], $0x80, v3, vm0, $0xb8;
	[tilespmem:$0x18200] =	vst v63  }
0xf3: {  	v3 =	vld [tilespmem:$0x130];
	_ =	sdelay $0x4  }
0xf4: {  	v51 =	vshll.u32 v3, $0x1  }
0xf5: {  	v3 =	vand.u32 $0x7, v3;
	v4 =	vand.u32 $0xFFFFFFF0, v51  }
0xf6: {  	v3 =	vor.u32 v3, v4  }
0xf7: {  	v4 =	vperm.xlane v3, v0;
	_ =	sdelay $0x1  }
0xf8: {  	v3 =	vperm.xlane v3, v2;
	v4 =	vadd.s32 v1, v4;
	_ =	sdelay $0x1  }
0xf9: {  	v3 =	vadd.s32 v1, v3;
	_ =	sdelay $0x1  }
0xfa: {  	s0 =	rddreg [dreg:$0x1c]  }
0xfb: {  	[tilespmem:s0], [sflag:$0x3] =	stream.indirect_vreg.gather [hbm4b:s2+s3], $0x80, v4, vm0, $0xb8;
	[tilespmem:$0x18200] =	vst v63  }
0xfc: {  	s25 =	rddreg [dreg:$0x1d]  }
0xfd: {  	[tilespmem:s25], [sflag:$0x3] =	stream.indirect_vreg.gather [hbm4b:s2+s3], $0x80, v3, vm0, $0xb8;
	[tilespmem:$0x18200] =	vst v63  }
0xfe: {  	v3 =	vld [tilespmem:$0x140];
	_ =	sdelay $0x4  }
0xff: {  	v52 =	vshll.u32 v3, $0x1  }
0x100: {  	v3 =	vand.u32 $0x7, v3;
	v4 =	vand.u32 $0xFFFFFFF0, v52  }
0x101: {  	v3 =	vor.u32 v3, v4  }
0x102: {  	v4 =	vperm.xlane v3, v0;
	_ =	sdelay $0x1  }
0x103: {  	v3 =	vperm.xlane v3, v2;
	v4 =	vadd.s32 v1, v4;
	_ =	sdelay $0x1  }
0x104: {  	v3 =	vadd.s32 v1, v3;
	_ =	sdelay $0x1  }
0x105: {  	s0 =	rddreg [dreg:$0x1e]  }
0x106: {  	[tilespmem:s0], [sflag:$0x3] =	stream.indirect_vreg.gather [hbm4b:s2+s3], $0x80, v4, vm0, $0xb8;
	[tilespmem:$0x18200] =	vst v63  }
0x107: {  	s25 =	rddreg [dreg:$0x1f]  }
0x108: {  	[tilespmem:s25], [sflag:$0x3] =	stream.indirect_vreg.gather [hbm4b:s2+s3], $0x80, v3, vm0, $0xb8;
	[tilespmem:$0x18200] =	vst v63  }
0x109: {  	v3 =	vld [tilespmem:$0x150];
	_ =	sdelay $0x4  }
0x10a: {  	v53 =	vshll.u32 v3, $0x1  }
0x10b: {  	v3 =	vand.u32 $0x7, v3;
	v4 =	vand.u32 $0xFFFFFFF0, v53  }
0x10c: {  	v3 =	vor.u32 v3, v4  }
0x10d: {  	v4 =	vperm.xlane v3, v0;
	_ =	sdelay $0x1  }
0x10e: {  	v3 =	vperm.xlane v3, v2;
	v4 =	vadd.s32 v1, v4;
	_ =	sdelay $0x1  }
0x10f: {  	s0 =	sld [smem:$0x7F9];
	v3 =	vadd.s32 v1, v3;
	_ =	sdelay $0x1  }
0x110: {  	s25 =	sld [smem:$0x7FA]  }
0x111: {  	[tilespmem:s0], [sflag:$0x3] =	stream.indirect_vreg.gather [hbm4b:s2+s3], $0x80, v4, vm0, $0xb8;
	[tilespmem:$0x18200] =	vst v63  }
0x112: {  	_ = 	snop  }
0x113: {  	[tilespmem:s25], [sflag:$0x3] =	stream.indirect_vreg.gather [hbm4b:s2+s3], $0x80, v3, vm0, $0xb8;
	[tilespmem:$0x18200] =	vst v63  }
0x114: {  	v3 =	vld [tilespmem:$0x160];
	_ =	sdelay $0x4  }
0x115: {  	v54 =	vshll.u32 v3, $0x1  }
0x116: {  	v3 =	vand.u32 $0x7, v3;
	v4 =	vand.u32 $0xFFFFFFF0, v54  }
0x117: {  	v3 =	vor.u32 v3, v4  }
0x118: {  	v4 =	vperm.xlane v3, v0;
	_ =	sdelay $0x1  }
0x119: {  	v3 =	vperm.xlane v3, v2;
	v4 =	vadd.s32 v1, v4;
	_ =	sdelay $0x1  }
0x11a: {  	s0 =	sld [smem:$0x7FB];
	v3 =	vadd.s32 v1, v3;
	_ =	sdelay $0x1  }
0x11b: {  	s25 =	sld [smem:$0x7FC]  }
0x11c: {  	[tilespmem:s0], [sflag:$0x3] =	stream.indirect_vreg.gather [hbm4b:s2+s3], $0x80, v4, vm0, $0xb8;
	[tilespmem:$0x18200] =	vst v63  }
0x11d: {  	_ = 	snop  }
0x11e: {  	[tilespmem:s25], [sflag:$0x3] =	stream.indirect_vreg.gather [hbm4b:s2+s3], $0x80, v3, vm0, $0xb8;
	[tilespmem:$0x18200] =	vst v63  }
0x11f: {  	v3 =	vld [tilespmem:$0x170];
	_ =	sdelay $0x4  }
0x120: {  	v55 =	vshll.u32 v3, $0x1  }
0x121: {  	v3 =	vand.u32 $0x7, v3;
	v4 =	vand.u32 $0xFFFFFFF0, v55  }
0x122: {  	v3 =	vor.u32 v3, v4  }
0x123: {  	v4 =	vperm.xlane v3, v0;
	_ =	sdelay $0x1  }
0x124: {  	v3 =	vperm.xlane v3, v2;
	v4 =	vadd.s32 v1, v4;
	_ =	sdelay $0x1  }
0x125: {  	s25 =	sld [smem:$0x7FD];
	v3 =	vadd.s32 v1, v3;
	_ =	sdelay $0x2  }
0x126: {  	[tilespmem:s25], [sflag:$0x3] =	stream.indirect_vreg.gather [hbm4b:s2+s3], $0x80, v4, vm0, $0xb8;
	[tilespmem:$0x18200] =	vst v63  }
0x127: {  	s25 =	simm.s32 $0x17A00  }
0x128: {  	[tilespmem:s25], [sflag:$0x3] =	stream.indirect_vreg.gather [hbm4b:s2+s3], $0x80, v3, vm0, $0xb8;
	[tilespmem:$0x18200] =	vst v63  }
0x129: {  	_ =	swait.ge [sflag:s26], $0x8000  }
0x12a: {  	[sflag:s26] =	ssyncset.done $0x0  }
0x12b: {  	[sflag:s26] =	ssyncadd.s32 $0xFFFF8000  }
0x12c: {  	[hbm4b:s4+s3] =	stream.linear.scatter [tilespmem:s7], [sflag:$0x4], $0x8000, $0x38;
	[tilespmem:$0x18200] =	vst v63  }
0x12d: {  	_ =	swait.ge [sflag:s28], $0x8000  }
0x12e: {  	[sflag:s28] =	ssyncset.done $0x0  }
0x12f: {  	[sflag:s28] =	ssyncadd.s32 $0xFFFF8000  }
0x130: {  	v3 =	vld [tilespmem:$0x180];
	_ =	sdelay $0x4  }
0x131: {  	v56 =	vshll.u32 v3, $0x1  }
0x132: {  	v3 =	vand.u32 $0x7, v3;
	v4 =	vand.u32 $0xFFFFFFF0, v56  }
0x133: {  	v3 =	vor.u32 v3, v4  }
0x134: {  	v4 =	vperm.xlane v3, v0;
	_ =	sdelay $0x1  }
0x135: {  	v3 =	vperm.xlane v3, v2;
	v4 =	vadd.s32 v1, v4;
	_ =	sdelay $0x1  }
0x136: {  	v3 =	vadd.s32 v1, v3;
	_ =	sdelay $0x2  }
0x137: {  	[tilespmem:s7], [sflag:$0x1] =	stream.indirect_vreg.gather [hbm4b:s2+s3], $0x80, v4, vm0, $0xb8;
	[tilespmem:$0x18200] =	vst v63  }
0x138: {  	_ = 	snop  }
0x139: {  	[tilespmem:s8], [sflag:$0x1] =	stream.indirect_vreg.gather [hbm4b:s2+s3], $0x80, v3, vm0, $0xb8;
	[tilespmem:$0x18200] =	vst v63  }
0x13a: {  	v3 =	vld [tilespmem:$0x190];
	_ =	sdelay $0x4  }
0x13b: {  	v57 =	vshll.u32 v3, $0x1  }
0x13c: {  	v3 =	vand.u32 $0x7, v3;
	v4 =	vand.u32 $0xFFFFFFF0, v57  }
0x13d: {  	v3 =	vor.u32 v3, v4  }
0x13e: {  	v4 =	vperm.xlane v3, v0;
	_ =	sdelay $0x1  }
0x13f: {  	v3 =	vperm.xlane v3, v2;
	v4 =	vadd.s32 v1, v4;
	_ =	sdelay $0x1  }
0x140: {  	v3 =	vadd.s32 v1, v3;
	_ =	sdelay $0x2  }
0x141: {  	[tilespmem:s9], [sflag:$0x1] =	stream.indirect_vreg.gather [hbm4b:s2+s3], $0x80, v4, vm0, $0xb8;
	[tilespmem:$0x18200] =	vst v63  }
0x142: {  	_ = 	snop  }
0x143: {  	[tilespmem:s10], [sflag:$0x1] =	stream.indirect_vreg.gather [hbm4b:s2+s3], $0x80, v3, vm0, $0xb8;
	[tilespmem:$0x18200] =	vst v63  }
0x144: {  	v3 =	vld [tilespmem:$0x1A0];
	_ =	sdelay $0x4  }
0x145: {  	v58 =	vshll.u32 v3, $0x1  }
0x146: {  	v3 =	vand.u32 $0x7, v3;
	v4 =	vand.u32 $0xFFFFFFF0, v58  }
0x147: {  	v3 =	vor.u32 v3, v4  }
0x148: {  	v4 =	vperm.xlane v3, v0;
	_ =	sdelay $0x1  }
0x149: {  	v3 =	vperm.xlane v3, v2;
	v4 =	vadd.s32 v1, v4;
	_ =	sdelay $0x1  }
0x14a: {  	v3 =	vadd.s32 v1, v3;
	_ =	sdelay $0x2  }
0x14b: {  	[tilespmem:s11], [sflag:$0x1] =	stream.indirect_vreg.gather [hbm4b:s2+s3], $0x80, v4, vm0, $0xb8;
	[tilespmem:$0x18200] =	vst v63  }
0x14c: {  	_ = 	snop  }
0x14d: {  	[tilespmem:s12], [sflag:$0x1] =	stream.indirect_vreg.gather [hbm4b:s2+s3], $0x80, v3, vm0, $0xb8;
	[tilespmem:$0x18200] =	vst v63  }
0x14e: {  	v3 =	vld [tilespmem:$0x1B0];
	_ =	sdelay $0x4  }
0x14f: {  	v59 =	vshll.u32 v3, $0x1  }
0x150: {  	v3 =	vand.u32 $0x7, v3;
	v4 =	vand.u32 $0xFFFFFFF0, v59  }
0x151: {  	v3 =	vor.u32 v3, v4  }
0x152: {  	v4 =	vperm.xlane v3, v0;
	_ =	sdelay $0x1  }
0x153: {  	v3 =	vperm.xlane v3, v2;
	v4 =	vadd.s32 v1, v4;
	_ =	sdelay $0x1  }
0x154: {  	v3 =	vadd.s32 v1, v3;
	_ =	sdelay $0x2  }
0x155: {  	[tilespmem:s13], [sflag:$0x1] =	stream.indirect_vreg.gather [hbm4b:s2+s3], $0x80, v4, vm0, $0xb8;
	[tilespmem:$0x18200] =	vst v63  }
0x156: {  	_ = 	snop  }
0x157: {  	[tilespmem:s14], [sflag:$0x1] =	stream.indirect_vreg.gather [hbm4b:s2+s3], $0x80, v3, vm0, $0xb8;
	[tilespmem:$0x18200] =	vst v63  }
0x158: {  	v3 =	vld [tilespmem:$0x1C0];
	_ =	sdelay $0x4  }
0x159: {  	v60 =	vshll.u32 v3, $0x1  }
0x15a: {  	v3 =	vand.u32 $0x7, v3;
	v4 =	vand.u32 $0xFFFFFFF0, v60  }
0x15b: {  	v3 =	vor.u32 v3, v4  }
0x15c: {  	v4 =	vperm.xlane v3, v0;
	_ =	sdelay $0x1  }
0x15d: {  	v3 =	vperm.xlane v3, v2;
	v4 =	vadd.s32 v1, v4;
	_ =	sdelay $0x1  }
0x15e: {  	v3 =	vadd.s32 v1, v3;
	_ =	sdelay $0x2  }
0x15f: {  	[tilespmem:s15], [sflag:$0x1] =	stream.indirect_vreg.gather [hbm4b:s2+s3], $0x80, v4, vm0, $0xb8;
	[tilespmem:$0x18200] =	vst v63  }
0x160: {  	_ = 	snop  }
0x161: {  	[tilespmem:s16], [sflag:$0x1] =	stream.indirect_vreg.gather [hbm4b:s2+s3], $0x80, v3, vm0, $0xb8;
	[tilespmem:$0x18200] =	vst v63  }
0x162: {  	v3 =	vld [tilespmem:$0x1D0];
	_ =	sdelay $0x4  }
0x163: {  	v61 =	vshll.u32 v3, $0x1  }
0x164: {  	v3 =	vand.u32 $0x7, v3;
	v4 =	vand.u32 $0xFFFFFFF0, v61  }
0x165: {  	v3 =	vor.u32 v3, v4  }
0x166: {  	v4 =	vperm.xlane v3, v0;
	_ =	sdelay $0x1  }
0x167: {  	v3 =	vperm.xlane v3, v2;
	v4 =	vadd.s32 v1, v4;
	_ =	sdelay $0x1  }
0x168: {  	v3 =	vadd.s32 v1, v3;
	_ =	sdelay $0x2  }
0x169: {  	[tilespmem:s17], [sflag:$0x1] =	stream.indirect_vreg.gather [hbm4b:s2+s3], $0x80, v4, vm0, $0xb8;
	[tilespmem:$0x18200] =	vst v63  }
0x16a: {  	_ = 	snop  }
0x16b: {  	[tilespmem:s18], [sflag:$0x1] =	stream.indirect_vreg.gather [hbm4b:s2+s3], $0x80, v3, vm0, $0xb8;
	[tilespmem:$0x18200] =	vst v63  }
0x16c: {  	v3 =	vld [tilespmem:$0x1E0];
	_ =	sdelay $0x4  }
0x16d: {  	v62 =	vshll.u32 v3, $0x1  }
0x16e: {  	v3 =	vand.u32 $0x7, v3;
	v4 =	vand.u32 $0xFFFFFFF0, v62  }
0x16f: {  	v3 =	vor.u32 v3, v4  }
0x170: {  	v4 =	vperm.xlane v3, v0;
	_ =	sdelay $0x1  }
0x171: {  	v3 =	vperm.xlane v3, v2;
	v4 =	vadd.s32 v1, v4;
	_ =	sdelay $0x1  }
0x172: {  	v3 =	vadd.s32 v1, v3;
	_ =	sdelay $0x2  }
0x173: {  	[tilespmem:s19], [sflag:$0x1] =	stream.indirect_vreg.gather [hbm4b:s2+s3], $0x80, v4, vm0, $0xb8;
	[tilespmem:$0x18200] =	vst v63  }
0x174: {  	_ = 	snop  }
0x175: {  	[tilespmem:s20], [sflag:$0x1] =	stream.indirect_vreg.gather [hbm4b:s2+s3], $0x80, v3, vm0, $0xb8;
	[tilespmem:$0x18200] =	vst v63  }
0x176: {  	v3 =	vld [tilespmem:$0x1F0];
	_ =	sdelay $0x4  }
0x177: {  	v63 =	vshll.u32 v3, $0x1  }
0x178: {  	v3 =	vand.u32 $0x7, v3;
	v4 =	vand.u32 $0xFFFFFFF0, v63  }
0x179: {  	v3 =	vor.u32 v3, v4  }
0x17a: {  	v4 =	vperm.xlane v3, v0;
	_ =	sdelay $0x1  }
0x17b: {  	v3 =	vperm.xlane v3, v2;
	v4 =	vadd.s32 v1, v4;
	_ =	sdelay $0x1  }
0x17c: {  	v3 =	vadd.s32 v1, v3;
	_ =	sdelay $0x2  }
0x17d: {  	[tilespmem:s21], [sflag:$0x1] =	stream.indirect_vreg.gather [hbm4b:s2+s3], $0x80, v4, vm0, $0xb8;
	[tilespmem:$0x18200] =	vst v63  }
0x17e: {  	_ = 	snop  }
0x17f: {  	[tilespmem:s22], [sflag:$0x1] =	stream.indirect_vreg.gather [hbm4b:s2+s3], $0x80, v3, vm0, $0xb8;
	[tilespmem:$0x18200] =	vst v63  }
0x180: {  	_ =	swait.ge [sflag:s29], $0x8000  }
0x181: {  	[sflag:s29] =	ssyncset.done $0x0  }
0x182: {  	s25 =	rddreg [dreg:$0x5];
	[sflag:s29] =	ssyncadd.s32 $0xFFFF8000  }
0x183: {  	[hbm4b:s25+s3] =	stream.linear.scatter [tilespmem:s23], [sflag:$0x5], $0x8000, $0x38;
	[tilespmem:$0x18200] =	vst v63  }
0x184: {  	_ =	swait.ge [sflag:s30], $0x8000  }
0x185: {  	[sflag:s30] =	ssyncset.done $0x0  }
0x186: {  	s25 =	rddreg [dreg:$0x6];
	[sflag:s30] =	ssyncadd.s32 $0xFFFF8000  }
0x187: {  	[hbm4b:s25+s3] =	stream.linear.scatter [tilespmem:s24], [sflag:$0x6], $0x8000, $0x38;
	[tilespmem:$0x18200] =	vst v63  }
0x188: {  	_ =	swait.ge [sflag:s26], $0x8000  }
0x189: {  	[sflag:s26] =	ssyncset.done $0x0  }
0x18a: {  	s25 =	rddreg [dreg:$0x7];
	[sflag:s26] =	ssyncadd.s32 $0xFFFF8000  }
0x18b: {  	[hbm4b:s25+s3] =	stream.linear.scatter [tilespmem:s7], [sflag:$0x4], $0x8000, $0x38;
	[tilespmem:$0x18200] =	vst v63  }
0x18c: {  	_ =	swait.ge [sflag:s28], $0x8000  }
0x18d: {  	[sflag:s28] =	ssyncset.done $0x0  }
0x18e: {  	[sflag:s28] =	ssyncadd.s32 $0xFFFF8000  }
0x18f: {  	p0 =	sne.s32 s5, $0x1;
	_ =	swait.ge [sflag:s31], $0x8000  }
.Ltmp0:
0x190: {  	[sflag:s31] =	ssyncset.done $0x0;
	(pc) =	sbr.rel @p0 .LBB2_1-.Ltmp0, $4  }
0x191: {  	[sflag:s31] =	ssyncadd.s32 $0xFFFF8000  }
0x192: {  	_ =	swait.ge [sflag:s1], $0x8000  }
0x193: {  	[sflag:s1] =	ssyncset.done $0x0  }
0x194: {  	s5 =	sadd.s32 $0xFFFFFFFF, s5;
	[sflag:s1] =	ssyncadd.s32 $0xFFFF8000  }
0x195: {  	_ =	sfence.sel $0x180000  }
0x196: {  	[bflag:$0x0] =	sbarrier.arrive $0xFFFF  }
0x197: {  	_ =	strace $0x90000047  }
0x198: {  	s0 =	stileid.u32;
	[bflag:$0x2] =	sbarrier.arrive $0xFFFF  }
0x199: {  	p0 =	sne.s32 s0, $0x0;
	s0 =	rddreg [dreg:$0x3]  }
0x19a: {  	s0 =	sadd.s32 @!p0 $0x100000, s0  }
0x19b: {  	[sflag:s0] =	ssyncadd.tile.s32 @!p0 $0x1;
	_ =	shalt  }
.Lfunc_end2:
_tile_overlayer_lowered:
.L_overlay_start_2:
0x19c: {  	(tag) =	ssettag $0x2  }
0x19d: {  	s0 =	rddreg [dreg:$0x0];
	s2 =	stileid.u32  }
0x19e: {  	s1 =	rddreg [dreg:$0x1];
	p0 =	sne.s32 s2, $0x0  }
0x19f: {  	s3 =	rddreg [dreg:$0x2];
	[bflag:$0x3] =	sbarrier.arrive $0xFFFF;
	s2 =	simm.s32 @!p0 $0x1C07  }
0x1a0: {  	[timem:s3], [sflag:s2] =	dma.local @!p0 [hbm:s0], s1  }
0x1a1: {  	s0 =	simm.s32 @!p0 $0x7  }
0x1a2: {  	_ =	swait.ge @!p0 [sflag:s0], s1  }
0x1a3: {  	s1 =	ssub.s32 @!p0 $0x0, s1;
	[sflag:s0] =	ssyncset.done @!p0 $0x0  }
0x1a4: {  	[sflag:s0] =	ssyncadd.s32 @!p0 s1  }
0x1a5: {  	[bflag:$0x3] =	sbarrier.arrive $0xFFFF  }
0x1a6: {  	_ =	shalt  }

</sc_bundles>
